<compile_context>
chip_gen: v7x
topology: tpu7x:2x2x1
jax: 0.10.2.dev20260603
libtpu: 0.0.44.dev20260713+nightly
codegen_flags: <defaults>
</compile_context>

<pallas_src>
import dataclasses
import functools

import jax
import jax.numpy as jnp
from jax import lax
from jax.experimental import pallas as pl
from jax.experimental.pallas import tpu as pltpu
from jax.experimental.pallas import tpu_sc as plsc

N = 10000
D = 128
E = 320000

NC = 2
NS = 16
NW = NC * NS
LANES = 16

CHUNK = 128
NCHUNKS = -(-E // CHUNK)
CH_PER_TILE = ((-(-NCHUNKS // NW)) + 7) // 8 * 8
NCHUNKS_P = CH_PER_TILE * NW
E_PAD = NCHUNKS_P * CHUNK
N_PAD = 10240
RB = 2
IDXB = 16

_mesh = plsc.VectorSubcoreMesh(core_axis_name="c", subcore_axis_name="s")

_cp = pltpu.CompilerParams()
if "needs_layout_passes" in pltpu.CompilerParams.__dataclass_fields__:
    _cp = dataclasses.replace(_cp, needs_layout_passes=False)


@functools.partial(
    pl.kernel,
    out_type=jax.ShapeDtypeStruct((NW * N_PAD,), jnp.float32),
    mesh=_mesh,
    compiler_params=_cp,
    scratch_types=[
        pltpu.VMEM((CH_PER_TILE, CHUNK), jnp.int32),
        pltpu.VMEM((N_PAD,), jnp.float32),
    ],
)
def _sc_degree(row_hbm, zero_hbm, hist_hbm, ridx_b, hist_v):
    cid = lax.axis_index("c")
    sid = lax.axis_index("s")
    wid = cid * NS + sid

    pltpu.sync_copy(row_hbm.at[pl.ds(wid * CH_PER_TILE, CH_PER_TILE)], ridx_b)
    pltpu.sync_copy(zero_hbm, hist_v)

    @pl.loop(0, CH_PER_TILE)
    def _(c):
        for k in range(0, CHUNK, LANES):
            idx16 = ridx_b[c, pl.ds(k, LANES)]
            plsc.addupdate_scatter(
                hist_v, [idx16], jnp.ones((LANES,), jnp.float32)
            )

    pltpu.sync_copy(hist_v, hist_hbm.at[pl.ds(wid * N_PAD, N_PAD)])


@functools.partial(
    pl.kernel,
    out_type=jax.ShapeDtypeStruct((NC * N_PAD, D), jnp.float32),
    mesh=_mesh,
    scratch_types=[
        pltpu.VMEM((IDXB, CHUNK), jnp.int32),
        pltpu.VMEM((IDXB, CHUNK), jnp.int32),
        pltpu.VMEM_SHARED((N_PAD, D), jnp.float32),
    ]
    + [pltpu.VMEM((CHUNK, D), jnp.float32)] * RB
    + [pltpu.SemaphoreType.DMA] * (2 * RB),
)
def _sc_aggregate(
    y_hbm, row_hbm, col_hbm, zero_hbm, acc_hbm,
    ridx_b, cidx_b, acc_sh, *bufs_sems,
):
    rbufs = bufs_sems[:RB]
    gsems = bufs_sems[RB:2 * RB]
    ssems = bufs_sems[2 * RB:]
    cid = lax.axis_index("c")
    sid = lax.axis_index("s")
    wid = cid * NS + sid
    base = wid * CH_PER_TILE

    @pl.when(sid == 0)
    def _():
        pltpu.sync_copy(zero_hbm, acc_sh)

    plsc.subcore_barrier()

    @pl.loop(0, CH_PER_TILE // IDXB)
    def _(h):
        hbase = base + h * IDXB
        pltpu.sync_copy(row_hbm.at[pl.ds(hbase, IDXB)], ridx_b)
        pltpu.sync_copy(col_hbm.at[pl.ds(hbase, IDXB)], cidx_b)

        @pl.loop(0, IDXB // RB)
        def _(p):
            c0 = p * RB
            ghs = [
                pltpu.async_copy(y_hbm.at[cidx_b.at[c0 + i]], rbufs[i], gsems[i])
                for i in range(RB)
            ]
            shs = []
            for i in range(RB):
                ghs[i].wait()
                shs.append(
                    pltpu.async_copy(
                        rbufs[i], acc_sh.at[ridx_b.at[c0 + i]], ssems[i], add=True
                    )
                )
            for sh in shs:
                sh.wait()

    plsc.subcore_barrier()

    @pl.when(sid == 0)
    def _():
        pltpu.sync_copy(acc_sh, acc_hbm.at[pl.ds(cid * N_PAD, N_PAD)])


BR = 1000


def _dis_from(hist_ref):
    deg = jnp.sum(hist_ref[...], axis=1)
    return jnp.where(deg > 0, lax.rsqrt(deg), 0.0)[:, None]


def _tc_scale_body(hist_ref, x_ref, y_ref):
    y_ref[...] = _dis_from(hist_ref) * x_ref[...]


def _tc_scale(hist_t, x):
    return pl.pallas_call(
        _tc_scale_body,
        grid=(N // BR,),
        in_specs=[
            pl.BlockSpec((BR, NW), lambda i: (i, 0)),
            pl.BlockSpec((BR, D), lambda i: (i, 0)),
        ],
        out_specs=pl.BlockSpec((BR, D), lambda i: (i, 0)),
        out_shape=jax.ShapeDtypeStruct((N, D), jnp.float32),
    )(hist_t, x)


def _tc_finalize_body(hist_ref, x_ref, acc_ref, out_ref):
    out_ref[:, :D] = x_ref[...]
    out_ref[:, D:] = _dis_from(hist_ref) * (acc_ref[0] + acc_ref[1])


def _tc_finalize(hist_t, x, acc2):
    return pl.pallas_call(
        _tc_finalize_body,
        grid=(N // BR,),
        in_specs=[
            pl.BlockSpec((BR, NW), lambda i: (i, 0)),
            pl.BlockSpec((BR, D), lambda i: (i, 0)),
            pl.BlockSpec((2, BR, D), lambda i: (0, i, 0)),
        ],
        out_specs=pl.BlockSpec((BR, 2 * D), lambda i: (i, 0)),
        out_shape=jax.ShapeDtypeStruct((N, 2 * D), jnp.float32),
    )(hist_t, x, acc2)


def kernel(x, edge_index):
    row = edge_index[0]
    col = edge_index[1]
    pad_iota = jnp.arange(E_PAD - E, dtype=jnp.int32)
    pad_r = N + pad_iota % (N_PAD - N)
    pad_c = pad_iota % N
    row2 = jnp.concatenate([row, pad_r]).reshape(NCHUNKS_P, CHUNK)
    col2 = jnp.concatenate([col, pad_c]).reshape(NCHUNKS_P, CHUNK)
    zeros_hist = jnp.zeros((N_PAD,), jnp.float32)
    zeros_acc = jnp.zeros((N_PAD, D), jnp.float32)
    hist_t = _sc_degree(row2, zeros_hist).reshape(NW, N_PAD).T
    y = _tc_scale(hist_t, x)
    acc2 = _sc_aggregate(y, row2, col2, zeros_acc).reshape(NC, N_PAD, D)
    return _tc_finalize(hist_t, x, acc2)

# --- scband reference (transcript-rebuilt; emitter-appended) ---
"""Pipeline reference for scband-gcnnorm-node-label-aggregation-5153960755614 (READ-ONLY COPY).

The authoritative reference and input builder live on the scoring server;
editing this copy changes nothing except your own understanding.
"""

import jax, jax.numpy as jnp
import numpy as np

N = 10000
E = 320000
D = 128

def setup_inputs(seed: int = 0) -> dict:
    key = jax.random.key(seed)
    k1, k2 = jax.random.split(key)
    x = jax.random.normal(k1, (N, D), dtype=jnp.float32)
    edge_index = jax.random.randint(k2, (2, E), 0, N, dtype=jnp.int32)
    return {"x": x, "edge_index": edge_index}


def reference(x, edge_index):
    # SparseTensor.from_edge_index: row = edge_index[0], col = edge_index[1]
    row = edge_index[0]
    col = edge_index[1]
    n = x.shape[0]
    # gcn_norm(adj, add_self_loops=False):
    # deg = row-sum of adjacency (all edge values = 1)
    deg = jax.ops.segment_sum(jnp.ones((row.shape[0],), dtype=x.dtype), row, num_segments=n)
    deg_safe = jnp.where(deg > 0, deg, 1.0)
    deg_inv_sqrt = jnp.where(deg > 0, deg_safe ** -0.5, 0.0)
    # value[e] = deg_inv_sqrt[row[e]] * deg_inv_sqrt[col[e]]
    vals = deg_inv_sqrt[row] * deg_inv_sqrt[col]
    # adj_norm.matmul(x): out[i] = sum over edges (row=i) of vals * x[col]
    msgs = vals[:, None] * jnp.take(x, col, axis=0)
    x_neighbors_norm = jax.ops.segment_sum(msgs, row, num_segments=n)
    node_labels = jnp.concatenate((x, x_neighbors_norm), axis=-1)
    return node_labels

if __name__ == "__main__":
    import jax
    _d = setup_inputs()
    print(jax.jit(kernel)(*tuple(_d.values())))

</pallas_src>

<mosaic_0001>
#map = affine_map<(d0, d1) -> (0, 0)>
#map1 = affine_map<(d0, d1) -> (0)>
module attributes {stable_mosaic.version = 14 : i64} {
  func.func @_sc_degree(%arg0: i32, %arg1: i32, %arg2: memref<2560x128xi32, #tpu.memory_space<hbm>>, %arg3: memref<10240xf32, #tpu.memory_space<hbm>>, %arg4: memref<327680xf32, #tpu.memory_space<hbm>>, %arg5: memref<80x128xi32, #tpu.memory_space<vmem>>, %arg6: memref<10240xf32, #tpu.memory_space<vmem>>) attributes {dimension_semantics = [#tpu.dimension_semantics<core_parallel>, #tpu.dimension_semantics<subcore_parallel>], iteration_bounds = array<i64: 2, 16>, scalar_prefetch = 0 : i64, scratch_operands = 2 : i64, tpu.core_type = #tpu.core_type<sc_vector_subcore>, window_params = [{transform_indices = #map}, {transform_indices = #map1}, {transform_indices = #map1}]} {
    %mul3A = arith.constant 16 : i32
    %mul3A_0 = arith.muli %arg0, %mul3A : i32
    %add3A = arith.addi %mul3A_0, %arg1 : i32
    %mul3A_1 = arith.constant 80 : i32
    %mul3A_2 = arith.muli %add3A, %mul3A_1 : i32
    "tpu.region"() ({
      %run_scoped3A = tpu.sem_alloc : memref<!tpu.dma_semaphore, #tpu.memory_space<semaphore_mem>>
      %dma_start3A = arith.constant 0 : i32
      %dma_start3A_9 = tpu.memref_slice %arg2[%mul3A_2, %dma_start3A] : memref<2560x128xi32, #tpu.memory_space<hbm>> -> memref<80x128xi32, #tpu.memory_space<hbm>>
      %dma_start3A_10 = arith.constant 0 : i32
      %dma_start3A_11 = tpu.memref_slice %arg2[%mul3A_2, %dma_start3A_10] : memref<2560x128xi32, #tpu.memory_space<hbm>> -> memref<80x128xi32, #tpu.memory_space<hbm>>
      tpu.enqueue_dma source(%dma_start3A_11 : memref<80x128xi32, #tpu.memory_space<hbm>>) target(%arg5 : memref<80x128xi32, #tpu.memory_space<vmem>>) target_semaphore(%run_scoped3A : memref<!tpu.dma_semaphore, #tpu.memory_space<semaphore_mem>>)
      %dma_wait3A = arith.constant 0 : i32
      %dma_wait3A_12 = tpu.memref_slice %arg2[%mul3A_2, %dma_wait3A] : memref<2560x128xi32, #tpu.memory_space<hbm>> -> memref<80x128xi32, #tpu.memory_space<hbm>>
      %dma_wait3A_13 = arith.constant 0 : i32
      %dma_wait3A_14 = tpu.memref_slice %arg2[%mul3A_2, %dma_wait3A_13] : memref<2560x128xi32, #tpu.memory_space<hbm>> -> memref<80x128xi32, #tpu.memory_space<hbm>>
      tpu.wait_dma2 semaphore(%run_scoped3A : memref<!tpu.dma_semaphore, #tpu.memory_space<semaphore_mem>>) src(%dma_wait3A_14 : memref<80x128xi32, #tpu.memory_space<hbm>>) dst(%arg5 : memref<80x128xi32, #tpu.memory_space<vmem>>)
      tpu.yield
    }) : () -> ()
    "tpu.region"() ({
      %run_scoped3A = tpu.sem_alloc : memref<!tpu.dma_semaphore, #tpu.memory_space<semaphore_mem>>
      tpu.enqueue_dma source(%arg3 : memref<10240xf32, #tpu.memory_space<hbm>>) target(%arg6 : memref<10240xf32, #tpu.memory_space<vmem>>) target_semaphore(%run_scoped3A : memref<!tpu.dma_semaphore, #tpu.memory_space<semaphore_mem>>)
      tpu.wait_dma2 semaphore(%run_scoped3A : memref<!tpu.dma_semaphore, #tpu.memory_space<semaphore_mem>>) src(%arg3 : memref<10240xf32, #tpu.memory_space<hbm>>) dst(%arg6 : memref<10240xf32, #tpu.memory_space<vmem>>)
      tpu.yield
    }) : () -> ()
    %scan3A = arith.constant 0 : i32
    %scan3A_3 = arith.constant 80 : i32
    %scan3A_4 = arith.addi %scan3A, %scan3A_3 : i32
    %scan3A_5 = arith.constant 1 : i32
    scf.for %scan3A_9 = %scan3A to %scan3A_4 step %scan3A_5  : i32 {
      %mul3A_10 = arith.constant 1 : i32
      %mul3A_11 = arith.muli %scan3A_9, %mul3A_10 : i32
      %add3A_12 = arith.constant 0 : i32
      %add3A_13 = arith.addi %add3A_12, %mul3A_11 : i32
      %get3A = arith.index_cast %add3A_13 : i32 to index
      %get3A_14 = arith.constant 0 : index
      %get3A_15 = tpu.vector_load %arg5[%get3A, %get3A_14] {strides = array<i32>} : memref<80x128xi32, #tpu.memory_space<vmem>>, vector<16xi32>,
      %broadcast_in_dim3A = arith.constant 1.000000e+00 : f32
      %broadcast_in_dim3A_16 = vector.broadcast %broadcast_in_dim3A : f32 to vector<16xf32>
      tpu.vector_store_idx %arg6[%get3A_15], %broadcast_in_dim3A_16 {add = true} : memref<10240xf32, #tpu.memory_space<vmem>>[vector<16xi32>], vector<16xf32>,
      %get3A_17 = arith.index_cast %add3A_13 : i32 to index
      %get3A_18 = arith.constant 16 : index
      %get3A_19 = tpu.vector_load %arg5[%get3A_17, %get3A_18] {strides = array<i32>} : memref<80x128xi32, #tpu.memory_space<vmem>>, vector<16xi32>,
      %broadcast_in_dim3A_20 = arith.constant 1.000000e+00 : f32
      %broadcast_in_dim3A_21 = vector.broadcast %broadcast_in_dim3A_20 : f32 to vector<16xf32>
      tpu.vector_store_idx %arg6[%get3A_19], %broadcast_in_dim3A_21 {add = true} : memref<10240xf32, #tpu.memory_space<vmem>>[vector<16xi32>], vector<16xf32>,
      %get3A_22 = arith.index_cast %add3A_13 : i32 to index
      %get3A_23 = arith.constant 32 : index
      %get3A_24 = tpu.vector_load %arg5[%get3A_22, %get3A_23] {strides = array<i32>} : memref<80x128xi32, #tpu.memory_space<vmem>>, vector<16xi32>,
      %broadcast_in_dim3A_25 = arith.constant 1.000000e+00 : f32
      %broadcast_in_dim3A_26 = vector.broadcast %broadcast_in_dim3A_25 : f32 to vector<16xf32>
      tpu.vector_store_idx %arg6[%get3A_24], %broadcast_in_dim3A_26 {add = true} : memref<10240xf32, #tpu.memory_space<vmem>>[vector<16xi32>], vector<16xf32>,
      %get3A_27 = arith.index_cast %add3A_13 : i32 to index
      %get3A_28 = arith.constant 48 : index
      %get3A_29 = tpu.vector_load %arg5[%get3A_27, %get3A_28] {strides = array<i32>} : memref<80x128xi32, #tpu.memory_space<vmem>>, vector<16xi32>,
      %broadcast_in_dim3A_30 = arith.constant 1.000000e+00 : f32
      %broadcast_in_dim3A_31 = vector.broadcast %broadcast_in_dim3A_30 : f32 to vector<16xf32>
      tpu.vector_store_idx %arg6[%get3A_29], %broadcast_in_dim3A_31 {add = true} : memref<10240xf32, #tpu.memory_space<vmem>>[vector<16xi32>], vector<16xf32>,
      %get3A_32 = arith.index_cast %add3A_13 : i32 to index
      %get3A_33 = arith.constant 64 : index
      %get3A_34 = tpu.vector_load %arg5[%get3A_32, %get3A_33] {strides = array<i32>} : memref<80x128xi32, #tpu.memory_space<vmem>>, vector<16xi32>,
      %broadcast_in_dim3A_35 = arith.constant 1.000000e+00 : f32
      %broadcast_in_dim3A_36 = vector.broadcast %broadcast_in_dim3A_35 : f32 to vector<16xf32>
      tpu.vector_store_idx %arg6[%get3A_34], %broadcast_in_dim3A_36 {add = true} : memref<10240xf32, #tpu.memory_space<vmem>>[vector<16xi32>], vector<16xf32>,
      %get3A_37 = arith.index_cast %add3A_13 : i32 to index
      %get3A_38 = arith.constant 80 : index
      %get3A_39 = tpu.vector_load %arg5[%get3A_37, %get3A_38] {strides = array<i32>} : memref<80x128xi32, #tpu.memory_space<vmem>>, vector<16xi32>,
      %broadcast_in_dim3A_40 = arith.constant 1.000000e+00 : f32
      %broadcast_in_dim3A_41 = vector.broadcast %broadcast_in_dim3A_40 : f32 to vector<16xf32>
      tpu.vector_store_idx %arg6[%get3A_39], %broadcast_in_dim3A_41 {add = true} : memref<10240xf32, #tpu.memory_space<vmem>>[vector<16xi32>], vector<16xf32>,
      %get3A_42 = arith.index_cast %add3A_13 : i32 to index
      %get3A_43 = arith.constant 96 : index
      %get3A_44 = tpu.vector_load %arg5[%get3A_42, %get3A_43] {strides = array<i32>} : memref<80x128xi32, #tpu.memory_space<vmem>>, vector<16xi32>,
      %broadcast_in_dim3A_45 = arith.constant 1.000000e+00 : f32
      %broadcast_in_dim3A_46 = vector.broadcast %broadcast_in_dim3A_45 : f32 to vector<16xf32>
      tpu.vector_store_idx %arg6[%get3A_44], %broadcast_in_dim3A_46 {add = true} : memref<10240xf32, #tpu.memory_space<vmem>>[vector<16xi32>], vector<16xf32>,
      %get3A_47 = arith.index_cast %add3A_13 : i32 to index
      %get3A_48 = arith.constant 112 : index
      %get3A_49 = tpu.vector_load %arg5[%get3A_47, %get3A_48] {strides = array<i32>} : memref<80x128xi32, #tpu.memory_space<vmem>>, vector<16xi32>,
      %broadcast_in_dim3A_50 = arith.constant 1.000000e+00 : f32
      %broadcast_in_dim3A_51 = vector.broadcast %broadcast_in_dim3A_50 : f32 to vector<16xf32>
      tpu.vector_store_idx %arg6[%get3A_49], %broadcast_in_dim3A_51 {add = true} : memref<10240xf32, #tpu.memory_space<vmem>>[vector<16xi32>], vector<16xf32>,
    }
    %scan3A_6 = arith.constant 80 : i32
    %mul3A_7 = arith.constant 10240 : i32
    %mul3A_8 = arith.muli %add3A, %mul3A_7 : i32
    "tpu.region"() ({
      %run_scoped3A = tpu.sem_alloc : memref<!tpu.dma_semaphore, #tpu.memory_space<semaphore_mem>>
      %dma_start3A = tpu.memref_slice %arg4[%mul3A_8] : memref<327680xf32, #tpu.memory_space<hbm>> -> memref<10240xf32, #tpu.memory_space<hbm>>
      %dma_start3A_9 = tpu.memref_slice %arg4[%mul3A_8] : memref<327680xf32, #tpu.memory_space<hbm>> -> memref<10240xf32, #tpu.memory_space<hbm>>
      tpu.enqueue_dma source(%arg6 : memref<10240xf32, #tpu.memory_space<vmem>>) target(%dma_start3A_9 : memref<10240xf32, #tpu.memory_space<hbm>>) target_semaphore(%run_scoped3A : memref<!tpu.dma_semaphore, #tpu.memory_space<semaphore_mem>>)
      %dma_wait3A = tpu.memref_slice %arg4[%mul3A_8] : memref<327680xf32, #tpu.memory_space<hbm>> -> memref<10240xf32, #tpu.memory_space<hbm>>
      %dma_wait3A_10 = tpu.memref_slice %arg4[%mul3A_8] : memref<327680xf32, #tpu.memory_space<hbm>> -> memref<10240xf32, #tpu.memory_space<hbm>>
      tpu.wait_dma2 semaphore(%run_scoped3A : memref<!tpu.dma_semaphore, #tpu.memory_space<semaphore_mem>>) src(%arg6 : memref<10240xf32, #tpu.memory_space<vmem>>) dst(%dma_wait3A_10 : memref<10240xf32, #tpu.memory_space<hbm>>)
      tpu.yield
    }) : () -> ()
    return
  }
}

#map = affine_map<(d0, d1) -> (0, 0)>
module attributes {stable_mosaic.version = 14 : i64} {
  func.func @_sc_aggregate(%arg0: i32, %arg1: i32, %arg2: memref<10000x128xf32, #tpu.memory_space<hbm>>, %arg3: memref<2560x128xi32, #tpu.memory_space<hbm>>, %arg4: memref<2560x128xi32, #tpu.memory_space<hbm>>, %arg5: memref<10240x128xf32, #tpu.memory_space<hbm>>, %arg6: memref<20480x128xf32, #tpu.memory_space<hbm>>, %arg7: memref<16x128xi32, #tpu.memory_space<vmem>>, %arg8: memref<16x128xi32, #tpu.memory_space<vmem>>, %arg9: memref<10240x128xf32, #tpu.memory_space<vmem_shared>>, %arg10: memref<128x128xf32, #tpu.memory_space<vmem>>, %arg11: memref<128x128xf32, #tpu.memory_space<vmem>>, %arg12: memref<!tpu.dma_semaphore, #tpu.memory_space<semaphore_mem>>, %arg13: memref<!tpu.dma_semaphore, #tpu.memory_space<semaphore_mem>>, %arg14: memref<!tpu.dma_semaphore, #tpu.memory_space<semaphore_mem>>, %arg15: memref<!tpu.dma_semaphore, #tpu.memory_space<semaphore_mem>>) attributes {dimension_semantics = [#tpu.dimension_semantics<core_parallel>, #tpu.dimension_semantics<subcore_parallel>], iteration_bounds = array<i64: 2, 16>, scalar_prefetch = 0 : i64, scratch_operands = 9 : i64, tpu.core_type = #tpu.core_type<sc_vector_subcore>, window_params = [{transform_indices = #map}, {transform_indices = #map}, {transform_indices = #map}, {transform_indices = #map}, {transform_indices = #map}]} {
    %mul3A = arith.constant 16 : i32
    %mul3A_0 = arith.muli %arg0, %mul3A : i32
    %add3A = arith.addi %mul3A_0, %arg1 : i32
    %mul3A_1 = arith.constant 80 : i32
    %mul3A_2 = arith.muli %add3A, %mul3A_1 : i32
    %eq3A = arith.constant 0 : i32
    %eq3A_3 = arith.cmpi eq, %arg1, %eq3A : i32
    %convert_element_type3A = arith.extui %eq3A_3 : i1 to i32
    %cond3A = arith.constant 0 : i32
    %cond3A_4 = arith.cmpi ne, %convert_element_type3A, %cond3A : i32
    scf.if %cond3A_4 {
      "tpu.region"() ({
        %run_scoped3A = tpu.sem_alloc : memref<!tpu.dma_semaphore, #tpu.memory_space<semaphore_mem>>
        tpu.enqueue_dma source(%arg5 : memref<10240x128xf32, #tpu.memory_space<hbm>>) target(%arg9 : memref<10240x128xf32, #tpu.memory_space<vmem_shared>>) target_semaphore(%run_scoped3A : memref<!tpu.dma_semaphore, #tpu.memory_space<semaphore_mem>>)
        tpu.wait_dma2 semaphore(%run_scoped3A : memref<!tpu.dma_semaphore, #tpu.memory_space<semaphore_mem>>) src(%arg5 : memref<10240x128xf32, #tpu.memory_space<hbm>>) dst(%arg9 : memref<10240x128xf32, #tpu.memory_space<vmem_shared>>)
        tpu.yield
      }) : () -> ()
    } else {
    }
    %barrier3A = arith.constant 0 : index
    tpu.barrier barrier_id(%barrier3A)
    %scan3A = arith.constant 0 : i32
    %scan3A_5 = arith.constant 5 : i32
    %scan3A_6 = arith.addi %scan3A, %scan3A_5 : i32
    %scan3A_7 = arith.constant 1 : i32
    scf.for %scan3A_15 = %scan3A to %scan3A_6 step %scan3A_7  : i32 {
      %mul3A_16 = arith.constant 1 : i32
      %mul3A_17 = arith.muli %scan3A_15, %mul3A_16 : i32
      %add3A_18 = arith.constant 0 : i32
      %add3A_19 = arith.addi %add3A_18, %mul3A_17 : i32
      %mul3A_20 = arith.constant 16 : i32
      %mul3A_21 = arith.muli %add3A_19, %mul3A_20 : i32
      %add3A_22 = arith.addi %mul3A_2, %mul3A_21 : i32
      "tpu.region"() ({
        %run_scoped3A = tpu.sem_alloc : memref<!tpu.dma_semaphore, #tpu.memory_space<semaphore_mem>>
        %dma_start3A = arith.constant 0 : i32
        %dma_start3A_28 = tpu.memref_slice %arg3[%add3A_22, %dma_start3A] : memref<2560x128xi32, #tpu.memory_space<hbm>> -> memref<16x128xi32, #tpu.memory_space<hbm>>
        %dma_start3A_29 = arith.constant 0 : i32
        %dma_start3A_30 = tpu.memref_slice %arg3[%add3A_22, %dma_start3A_29] : memref<2560x128xi32, #tpu.memory_space<hbm>> -> memref<16x128xi32, #tpu.memory_space<hbm>>
        tpu.enqueue_dma source(%dma_start3A_30 : memref<16x128xi32, #tpu.memory_space<hbm>>) target(%arg7 : memref<16x128xi32, #tpu.memory_space<vmem>>) target_semaphore(%run_scoped3A : memref<!tpu.dma_semaphore, #tpu.memory_space<semaphore_mem>>)
        %dma_wait3A = arith.constant 0 : i32
        %dma_wait3A_31 = tpu.memref_slice %arg3[%add3A_22, %dma_wait3A] : memref<2560x128xi32, #tpu.memory_space<hbm>> -> memref<16x128xi32, #tpu.memory_space<hbm>>
        %dma_wait3A_32 = arith.constant 0 : i32
        %dma_wait3A_33 = tpu.memref_slice %arg3[%add3A_22, %dma_wait3A_32] : memref<2560x128xi32, #tpu.memory_space<hbm>> -> memref<16x128xi32, #tpu.memory_space<hbm>>
        tpu.wait_dma2 semaphore(%run_scoped3A : memref<!tpu.dma_semaphore, #tpu.memory_space<semaphore_mem>>) src(%dma_wait3A_33 : memref<16x128xi32, #tpu.memory_space<hbm>>) dst(%arg7 : memref<16x128xi32, #tpu.memory_space<vmem>>)
        tpu.yield
      }) : () -> ()
      "tpu.region"() ({
        %run_scoped3A = tpu.sem_alloc : memref<!tpu.dma_semaphore, #tpu.memory_space<semaphore_mem>>
        %dma_start3A = arith.constant 0 : i32
        %dma_start3A_28 = tpu.memref_slice %arg4[%add3A_22, %dma_start3A] : memref<2560x128xi32, #tpu.memory_space<hbm>> -> memref<16x128xi32, #tpu.memory_space<hbm>>
        %dma_start3A_29 = arith.constant 0 : i32
        %dma_start3A_30 = tpu.memref_slice %arg4[%add3A_22, %dma_start3A_29] : memref<2560x128xi32, #tpu.memory_space<hbm>> -> memref<16x128xi32, #tpu.memory_space<hbm>>
        tpu.enqueue_dma source(%dma_start3A_30 : memref<16x128xi32, #tpu.memory_space<hbm>>) target(%arg8 : memref<16x128xi32, #tpu.memory_space<vmem>>) target_semaphore(%run_scoped3A : memref<!tpu.dma_semaphore, #tpu.memory_space<semaphore_mem>>)
        %dma_wait3A = arith.constant 0 : i32
        %dma_wait3A_31 = tpu.memref_slice %arg4[%add3A_22, %dma_wait3A] : memref<2560x128xi32, #tpu.memory_space<hbm>> -> memref<16x128xi32, #tpu.memory_space<hbm>>
        %dma_wait3A_32 = arith.constant 0 : i32
        %dma_wait3A_33 = tpu.memref_slice %arg4[%add3A_22, %dma_wait3A_32] : memref<2560x128xi32, #tpu.memory_space<hbm>> -> memref<16x128xi32, #tpu.memory_space<hbm>>
        tpu.wait_dma2 semaphore(%run_scoped3A : memref<!tpu.dma_semaphore, #tpu.memory_space<semaphore_mem>>) src(%dma_wait3A_33 : memref<16x128xi32, #tpu.memory_space<hbm>>) dst(%arg8 : memref<16x128xi32, #tpu.memory_space<vmem>>)
        tpu.yield
      }) : () -> ()
      %scan3A_23 = arith.constant 0 : i32
      %scan3A_24 = arith.constant 8 : i32
      %scan3A_25 = arith.addi %scan3A_23, %scan3A_24 : i32
      %scan3A_26 = arith.constant 1 : i32
      scf.for %scan3A_28 = %scan3A_23 to %scan3A_25 step %scan3A_26  : i32 {
        %mul3A_29 = arith.constant 1 : i32
        %mul3A_30 = arith.muli %scan3A_28, %mul3A_29 : i32
        %add3A_31 = arith.constant 0 : i32
        %add3A_32 = arith.addi %add3A_31, %mul3A_30 : i32
        %mul3A_33 = arith.constant 2 : i32
        %mul3A_34 = arith.muli %add3A_32, %mul3A_33 : i32
        %add3A_35 = arith.constant 0 : i32
        %add3A_36 = arith.addi %mul3A_34, %add3A_35 : i32
        %dma_start3A = arith.constant 0 : i32
        %dma_start3A_37 = tpu.memref_slice %arg8[%add3A_36, %dma_start3A] : memref<16x128xi32, #tpu.memory_space<vmem>> -> memref<1x128xi32, #tpu.memory_space<vmem>>
        %dma_start3A_38 = tpu.memref_squeeze %dma_start3A_37 : memref<1x128xi32, #tpu.memory_space<vmem>> -> memref<128xi32, #tpu.memory_space<vmem>>
        %dma_start3A_39 = arith.constant 0 : i32
        %dma_start3A_40 = arith.constant 0 : i32
        %dma_start3A_41 = tpu.memref_slice %arg2[%dma_start3A_39, %dma_start3A_40] : memref<10000x128xf32, #tpu.memory_space<hbm>> -> memref<10000x128xf32, #tpu.memory_space<hbm>>
        tpu.enqueue_indirect_dma source(%dma_start3A_41 : memref<10000x128xf32, #tpu.memory_space<hbm>>) target(%arg10 : memref<128x128xf32, #tpu.memory_space<vmem>>) offsets(%dma_start3A_38 : memref<128xi32, #tpu.memory_space<vmem>>) semaphore(%arg12 : memref<!tpu.dma_semaphore, #tpu.memory_space<semaphore_mem>>)
        %add3A_42 = arith.constant 1 : i32
        %add3A_43 = arith.addi %mul3A_34, %add3A_42 : i32
        %dma_start3A_44 = arith.constant 0 : i32
        %dma_start3A_45 = tpu.memref_slice %arg8[%add3A_43, %dma_start3A_44] : memref<16x128xi32, #tpu.memory_space<vmem>> -> memref<1x128xi32, #tpu.memory_space<vmem>>
        %dma_start3A_46 = tpu.memref_squeeze %dma_start3A_45 : memref<1x128xi32, #tpu.memory_space<vmem>> -> memref<128xi32, #tpu.memory_space<vmem>>
        %dma_start3A_47 = arith.constant 0 : i32
        %dma_start3A_48 = arith.constant 0 : i32
        %dma_start3A_49 = tpu.memref_slice %arg2[%dma_start3A_47, %dma_start3A_48] : memref<10000x128xf32, #tpu.memory_space<hbm>> -> memref<10000x128xf32, #tpu.memory_space<hbm>>
        tpu.enqueue_indirect_dma source(%dma_start3A_49 : memref<10000x128xf32, #tpu.memory_space<hbm>>) target(%arg11 : memref<128x128xf32, #tpu.memory_space<vmem>>) offsets(%dma_start3A_46 : memref<128xi32, #tpu.memory_space<vmem>>) semaphore(%arg13 : memref<!tpu.dma_semaphore, #tpu.memory_space<semaphore_mem>>)
        %dma_wait3A = arith.constant 0 : i32
        %dma_wait3A_50 = tpu.memref_slice %arg8[%add3A_36, %dma_wait3A] : memref<16x128xi32, #tpu.memory_space<vmem>> -> memref<1x128xi32, #tpu.memory_space<vmem>>
        %dma_wait3A_51 = tpu.memref_squeeze %dma_wait3A_50 : memref<1x128xi32, #tpu.memory_space<vmem>> -> memref<128xi32, #tpu.memory_space<vmem>>
        %dma_wait3A_52 = arith.constant 0 : i32
        %dma_wait3A_53 = arith.constant 0 : i32
        %dma_wait3A_54 = tpu.memref_slice %arg2[%dma_wait3A_52, %dma_wait3A_53] : memref<10000x128xf32, #tpu.memory_space<hbm>> -> memref<10000x128xf32, #tpu.memory_space<hbm>>
        tpu.wait_indirect_dma semaphore(%arg12 : memref<!tpu.dma_semaphore, #tpu.memory_space<semaphore_mem>>) src(%dma_wait3A_54 : memref<10000x128xf32, #tpu.memory_space<hbm>>) dst(%arg10 : memref<128x128xf32, #tpu.memory_space<vmem>>)
        %add3A_55 = arith.constant 0 : i32
        %add3A_56 = arith.addi %mul3A_34, %add3A_55 : i32
        %dma_start3A_57 = arith.constant 0 : i32
        %dma_start3A_58 = tpu.memref_slice %arg7[%add3A_56, %dma_start3A_57] : memref<16x128xi32, #tpu.memory_space<vmem>> -> memref<1x128xi32, #tpu.memory_space<vmem>>
        %dma_start3A_59 = tpu.memref_squeeze %dma_start3A_58 : memref<1x128xi32, #tpu.memory_space<vmem>> -> memref<128xi32, #tpu.memory_space<vmem>>
        %dma_start3A_60 = arith.constant 0 : i32
        %dma_start3A_61 = arith.constant 0 : i32
        %dma_start3A_62 = tpu.memref_slice %arg9[%dma_start3A_60, %dma_start3A_61] : memref<10240x128xf32, #tpu.memory_space<vmem_shared>> -> memref<10240x128xf32, #tpu.memory_space<vmem_shared>>
        tpu.enqueue_indirect_dma source(%arg10 : memref<128x128xf32, #tpu.memory_space<vmem>>) target(%dma_start3A_62 : memref<10240x128xf32, #tpu.memory_space<vmem_shared>>) offsets(%dma_start3A_59 : memref<128xi32, #tpu.memory_space<vmem>>) semaphore(%arg14 : memref<!tpu.dma_semaphore, #tpu.memory_space<semaphore_mem>>) {add = true}
        %dma_wait3A_63 = arith.constant 0 : i32
        %dma_wait3A_64 = tpu.memref_slice %arg8[%add3A_43, %dma_wait3A_63] : memref<16x128xi32, #tpu.memory_space<vmem>> -> memref<1x128xi32, #tpu.memory_space<vmem>>
        %dma_wait3A_65 = tpu.memref_squeeze %dma_wait3A_64 : memref<1x128xi32, #tpu.memory_space<vmem>> -> memref<128xi32, #tpu.memory_space<vmem>>
        %dma_wait3A_66 = arith.constant 0 : i32
        %dma_wait3A_67 = arith.constant 0 : i32
        %dma_wait3A_68 = tpu.memref_slice %arg2[%dma_wait3A_66, %dma_wait3A_67] : memref<10000x128xf32, #tpu.memory_space<hbm>> -> memref<10000x128xf32, #tpu.memory_space<hbm>>
        tpu.wait_indirect_dma semaphore(%arg13 : memref<!tpu.dma_semaphore, #tpu.memory_space<semaphore_mem>>) src(%dma_wait3A_68 : memref<10000x128xf32, #tpu.memory_space<hbm>>) dst(%arg11 : memref<128x128xf32, #tpu.memory_space<vmem>>)
        %add3A_69 = arith.constant 1 : i32
        %add3A_70 = arith.addi %mul3A_34, %add3A_69 : i32
        %dma_start3A_71 = arith.constant 0 : i32
        %dma_start3A_72 = tpu.memref_slice %arg7[%add3A_70, %dma_start3A_71] : memref<16x128xi32, #tpu.memory_space<vmem>> -> memref<1x128xi32, #tpu.memory_space<vmem>>
        %dma_start3A_73 = tpu.memref_squeeze %dma_start3A_72 : memref<1x128xi32, #tpu.memory_space<vmem>> -> memref<128xi32, #tpu.memory_space<vmem>>
        %dma_start3A_74 = arith.constant 0 : i32
        %dma_start3A_75 = arith.constant 0 : i32
        %dma_start3A_76 = tpu.memref_slice %arg9[%dma_start3A_74, %dma_start3A_75] : memref<10240x128xf32, #tpu.memory_space<vmem_shared>> -> memref<10240x128xf32, #tpu.memory_space<vmem_shared>>
        tpu.enqueue_indirect_dma source(%arg11 : memref<128x128xf32, #tpu.memory_space<vmem>>) target(%dma_start3A_76 : memref<10240x128xf32, #tpu.memory_space<vmem_shared>>) offsets(%dma_start3A_73 : memref<128xi32, #tpu.memory_space<vmem>>) semaphore(%arg15 : memref<!tpu.dma_semaphore, #tpu.memory_space<semaphore_mem>>) {add = true}
        %dma_wait3A_77 = arith.constant 0 : i32
        %dma_wait3A_78 = tpu.memref_slice %arg7[%add3A_56, %dma_wait3A_77] : memref<16x128xi32, #tpu.memory_space<vmem>> -> memref<1x128xi32, #tpu.memory_space<vmem>>
        %dma_wait3A_79 = tpu.memref_squeeze %dma_wait3A_78 : memref<1x128xi32, #tpu.memory_space<vmem>> -> memref<128xi32, #tpu.memory_space<vmem>>
        %dma_wait3A_80 = arith.constant 0 : i32
        %dma_wait3A_81 = arith.constant 0 : i32
        %dma_wait3A_82 = tpu.memref_slice %arg9[%dma_wait3A_80, %dma_wait3A_81] : memref<10240x128xf32, #tpu.memory_space<vmem_shared>> -> memref<10240x128xf32, #tpu.memory_space<vmem_shared>>
        tpu.wait_indirect_dma semaphore(%arg14 : memref<!tpu.dma_semaphore, #tpu.memory_space<semaphore_mem>>) src(%arg10 : memref<128x128xf32, #tpu.memory_space<vmem>>) dst(%dma_wait3A_82 : memref<10240x128xf32, #tpu.memory_space<vmem_shared>>)
        %dma_wait3A_83 = arith.constant 0 : i32
        %dma_wait3A_84 = tpu.memref_slice %arg7[%add3A_70, %dma_wait3A_83] : memref<16x128xi32, #tpu.memory_space<vmem>> -> memref<1x128xi32, #tpu.memory_space<vmem>>
        %dma_wait3A_85 = tpu.memref_squeeze %dma_wait3A_84 : memref<1x128xi32, #tpu.memory_space<vmem>> -> memref<128xi32, #tpu.memory_space<vmem>>
        %dma_wait3A_86 = arith.constant 0 : i32
        %dma_wait3A_87 = arith.constant 0 : i32
        %dma_wait3A_88 = tpu.memref_slice %arg9[%dma_wait3A_86, %dma_wait3A_87] : memref<10240x128xf32, #tpu.memory_space<vmem_shared>> -> memref<10240x128xf32, #tpu.memory_space<vmem_shared>>
        tpu.wait_indirect_dma semaphore(%arg15 : memref<!tpu.dma_semaphore, #tpu.memory_space<semaphore_mem>>) src(%arg11 : memref<128x128xf32, #tpu.memory_space<vmem>>) dst(%dma_wait3A_88 : memref<10240x128xf32, #tpu.memory_space<vmem_shared>>)
      }
      %scan3A_27 = arith.constant 8 : i32
    }
    %scan3A_8 = arith.constant 5 : i32
    %barrier3A_9 = arith.constant 0 : index
    tpu.barrier barrier_id(%barrier3A_9)
    %eq3A_10 = arith.constant 0 : i32
    %eq3A_11 = arith.cmpi eq, %arg1, %eq3A_10 : i32
    %convert_element_type3A_12 = arith.extui %eq3A_11 : i1 to i32
    %cond3A_13 = arith.constant 0 : i32
    %cond3A_14 = arith.cmpi ne, %convert_element_type3A_12, %cond3A_13 : i32
    scf.if %cond3A_14 {
      %mul3A_15 = arith.constant 10240 : i32
      %mul3A_16 = arith.muli %arg0, %mul3A_15 : i32
      "tpu.region"() ({
        %run_scoped3A = tpu.sem_alloc : memref<!tpu.dma_semaphore, #tpu.memory_space<semaphore_mem>>
        %dma_start3A = arith.constant 0 : i32
        %dma_start3A_17 = tpu.memref_slice %arg6[%mul3A_16, %dma_start3A] : memref<20480x128xf32, #tpu.memory_space<hbm>> -> memref<10240x128xf32, #tpu.memory_space<hbm>>
        tpu.enqueue_dma source(%arg9 : memref<10240x128xf32, #tpu.memory_space<vmem_shared>>) target(%dma_start3A_17 : memref<10240x128xf32, #tpu.memory_space<hbm>>) target_semaphore(%run_scoped3A : memref<!tpu.dma_semaphore, #tpu.memory_space<semaphore_mem>>)
        %dma_wait3A = arith.constant 0 : i32
        %dma_wait3A_18 = tpu.memref_slice %arg6[%mul3A_16, %dma_wait3A] : memref<20480x128xf32, #tpu.memory_space<hbm>> -> memref<10240x128xf32, #tpu.memory_space<hbm>>
        tpu.wait_dma2 semaphore(%run_scoped3A : memref<!tpu.dma_semaphore, #tpu.memory_space<semaphore_mem>>) src(%arg9 : memref<10240x128xf32, #tpu.memory_space<vmem_shared>>) dst(%dma_wait3A_18 : memref<10240x128xf32, #tpu.memory_space<hbm>>)
        tpu.yield
      }) : () -> ()
    } else {
    }
    return
  }
}

module attributes {stable_mosaic.version = 14 : i64} {
  func.func @_tc_scale_body(%arg0: i32, %arg1: memref<1000x32xf32, #tpu.memory_space<vmem>>, %arg2: memref<1000x128xf32, #tpu.memory_space<vmem>>, %arg3: memref<1000x128xf32, #tpu.memory_space<vmem>>) attributes {dimension_semantics = [#tpu.dimension_semantics<arbitrary>], iteration_bounds = array<i64: 10>, scalar_prefetch = 0 : i64, scratch_operands = 0 : i64, tpu.core_type = #tpu.core_type<tc>, window_params = [{transform_indices = @transform_0, window_bounds = array<i64: 1000, 32>}, {transform_indices = @transform_1, window_bounds = array<i64: 1000, 128>}, {transform_indices = @transform_2, window_bounds = array<i64: 1000, 128>}]} {
    %get3A = arith.constant 0 : index
    %get3A_0 = arith.constant 0 : index
    %get3A_1 = vector.load %arg1[%get3A, %get3A_0] : memref<1000x32xf32, #tpu.memory_space<vmem>>, vector<1000x32xf32>
    %reduce_sum3A = arith.constant dense<0.000000e+00> : vector<1000xf32>
    %reduce_sum3A_2 = vector.multi_reduction <add>, %get3A_1, %reduce_sum3A [1] : vector<1000x32xf32> to vector<1000xf32>
    %gt3A = arith.constant 0.000000e+00 : f32
    %gt3A_3 = vector.broadcast %gt3A : f32 to vector<1000xf32>
    %gt3A_4 = arith.cmpf ogt, %reduce_sum3A_2, %gt3A_3 : vector<1000xf32>
    %rsqrt3A = math.rsqrt %reduce_sum3A_2 : vector<1000xf32>
    %jit3A = arith.constant 0.000000e+00 : f32
    %broadcast_in_dim3A = vector.broadcast %jit3A : f32 to vector<1000xf32>
    %select_n3A = arith.select %gt3A_4, %rsqrt3A, %broadcast_in_dim3A : vector<1000xi1>, vector<1000xf32>
    %broadcast_in_dim3A_5 = vector.shape_cast %select_n3A : vector<1000xf32> to vector<1000x1xf32>
    %get3A_6 = arith.constant 0 : index
    %get3A_7 = arith.constant 0 : index
    %get3A_8 = vector.load %arg2[%get3A_6, %get3A_7] : memref<1000x128xf32, #tpu.memory_space<vmem>>, vector<1000x128xf32>
    %mul3A = vector.broadcast %broadcast_in_dim3A_5 : vector<1000x1xf32> to vector<1000x128xf32>
    %mul3A_9 = arith.mulf %mul3A, %get3A_8 : vector<1000x128xf32>
    %swap3A = arith.constant 0 : index
    %swap3A_10 = arith.constant 0 : index
    %swap3A_11 = vector.load %arg3[%swap3A, %swap3A_10] : memref<1000x128xf32, #tpu.memory_space<vmem>>, vector<1000x128xf32>
    tpu.vector_store %arg3[%swap3A, %swap3A_10], %mul3A_9 {strides = array<i32>} : memref<1000x128xf32, #tpu.memory_space<vmem>>, vector<1000x128xf32>,
    return
  }
  func.func @transform_0(%arg0: i32) -> (i32, i32) {
    %c0_i32 = arith.constant 0 : i32
    %c0_i32_0 = arith.constant 0 : i32
    return %arg0, %c0_i32 : i32, i32
  }
  func.func @transform_1(%arg0: i32) -> (i32, i32) {
    %c0_i32 = arith.constant 0 : i32
    %c0_i32_0 = arith.constant 0 : i32
    return %arg0, %c0_i32 : i32, i32
  }
  func.func @transform_2(%arg0: i32) -> (i32, i32) {
    %c0_i32 = arith.constant 0 : i32
    %c0_i32_0 = arith.constant 0 : i32
    return %arg0, %c0_i32 : i32, i32
  }
}

module attributes {stable_mosaic.version = 14 : i64} {
  func.func @_tc_finalize_body(%arg0: i32, %arg1: memref<1000x32xf32, #tpu.memory_space<vmem>>, %arg2: memref<1000x128xf32, #tpu.memory_space<vmem>>, %arg3: memref<2x1000x128xf32, #tpu.memory_space<vmem>>, %arg4: memref<1000x256xf32, #tpu.memory_space<vmem>>) attributes {dimension_semantics = [#tpu.dimension_semantics<arbitrary>], iteration_bounds = array<i64: 10>, scalar_prefetch = 0 : i64, scratch_operands = 0 : i64, tpu.core_type = #tpu.core_type<tc>, window_params = [{transform_indices = @transform_0, window_bounds = array<i64: 1000, 32>}, {transform_indices = @transform_1, window_bounds = array<i64: 1000, 128>}, {transform_indices = @transform_2, window_bounds = array<i64: 2, 1000, 128>}, {transform_indices = @transform_3, window_bounds = array<i64: 1000, 256>}]} {
    %get3A = arith.constant 0 : index
    %get3A_0 = arith.constant 0 : index
    %get3A_1 = vector.load %arg2[%get3A, %get3A_0] : memref<1000x128xf32, #tpu.memory_space<vmem>>, vector<1000x128xf32>
    %swap3A = arith.constant 0 : index
    %swap3A_2 = arith.constant 0 : index
    %swap3A_3 = vector.load %arg4[%swap3A, %swap3A_2] : memref<1000x256xf32, #tpu.memory_space<vmem>>, vector<1000x128xf32>
    tpu.vector_store %arg4[%swap3A, %swap3A_2], %get3A_1 {strides = array<i32>} : memref<1000x256xf32, #tpu.memory_space<vmem>>, vector<1000x128xf32>,
    %get3A_4 = arith.constant 0 : index
    %get3A_5 = arith.constant 0 : index
    %get3A_6 = vector.load %arg1[%get3A_4, %get3A_5] : memref<1000x32xf32, #tpu.memory_space<vmem>>, vector<1000x32xf32>
    %reduce_sum3A = arith.constant dense<0.000000e+00> : vector<1000xf32>
    %reduce_sum3A_7 = vector.multi_reduction <add>, %get3A_6, %reduce_sum3A [1] : vector<1000x32xf32> to vector<1000xf32>
    %gt3A = arith.constant 0.000000e+00 : f32
    %gt3A_8 = vector.broadcast %gt3A : f32 to vector<1000xf32>
    %gt3A_9 = arith.cmpf ogt, %reduce_sum3A_7, %gt3A_8 : vector<1000xf32>
    %rsqrt3A = math.rsqrt %reduce_sum3A_7 : vector<1000xf32>
    %jit3A = arith.constant 0.000000e+00 : f32
    %broadcast_in_dim3A = vector.broadcast %jit3A : f32 to vector<1000xf32>
    %select_n3A = arith.select %gt3A_9, %rsqrt3A, %broadcast_in_dim3A : vector<1000xi1>, vector<1000xf32>
    %broadcast_in_dim3A_10 = vector.shape_cast %select_n3A : vector<1000xf32> to vector<1000x1xf32>
    %get3A_11 = arith.constant 0 : index
    %get3A_12 = arith.constant 0 : index
    %get3A_13 = arith.constant 0 : index
    %get3A_14 = vector.load %arg3[%get3A_11, %get3A_12, %get3A_13] : memref<2x1000x128xf32, #tpu.memory_space<vmem>>, vector<1x1000x128xf32>
    %get3A_15 = vector.shape_cast %get3A_14 : vector<1x1000x128xf32> to vector<1000x128xf32>
    %get3A_16 = arith.constant 1 : index
    %get3A_17 = arith.constant 0 : index
    %get3A_18 = arith.constant 0 : index
    %get3A_19 = vector.load %arg3[%get3A_16, %get3A_17, %get3A_18] : memref<2x1000x128xf32, #tpu.memory_space<vmem>>, vector<1x1000x128xf32>
    %get3A_20 = vector.shape_cast %get3A_19 : vector<1x1000x128xf32> to vector<1000x128xf32>
    %add3A = arith.addf %get3A_15, %get3A_20 : vector<1000x128xf32>
    %mul3A = vector.broadcast %broadcast_in_dim3A_10 : vector<1000x1xf32> to vector<1000x128xf32>
    %mul3A_21 = arith.mulf %mul3A, %add3A : vector<1000x128xf32>
    %swap3A_22 = arith.constant 0 : index
    %swap3A_23 = arith.constant 128 : index
    %swap3A_24 = vector.load %arg4[%swap3A_22, %swap3A_23] : memref<1000x256xf32, #tpu.memory_space<vmem>>, vector<1000x128xf32>
    tpu.vector_store %arg4[%swap3A_22, %swap3A_23], %mul3A_21 {strides = array<i32>} : memref<1000x256xf32, #tpu.memory_space<vmem>>, vector<1000x128xf32>,
    return
  }
  func.func @transform_0(%arg0: i32) -> (i32, i32) {
    %c0_i32 = arith.constant 0 : i32
    %c0_i32_0 = arith.constant 0 : i32
    return %arg0, %c0_i32 : i32, i32
  }
  func.func @transform_1(%arg0: i32) -> (i32, i32) {
    %c0_i32 = arith.constant 0 : i32
    %c0_i32_0 = arith.constant 0 : i32
    return %arg0, %c0_i32 : i32, i32
  }
  func.func @transform_2(%arg0: i32) -> (i32, i32, i32) {
    %c0_i32 = arith.constant 0 : i32
    %c0_i32_0 = arith.constant 0 : i32
    %c0_i32_1 = arith.constant 0 : i32
    return %c0_i32, %arg0, %c0_i32_0 : i32, i32, i32
  }
  func.func @transform_3(%arg0: i32) -> (i32, i32) {
    %c0_i32 = arith.constant 0 : i32
    %c0_i32_0 = arith.constant 0 : i32
    return %arg0, %c0_i32 : i32, i32
  }
}

</mosaic_0001>

<sc_bundles>
// kernel: kernel.6.cloned.1.call-start
scs
__scs_entry_jumppad:
0x0: {  	(pc) =	sbr.rel $0x88, $3  }
0x1: {  	(tag) =	ssettag $0x0;
	lr =	simm.s32 $0x1  }
0x2: {  	[smem:$0x3F9F] =	sst lr;
	_ =	strace $0xD0000000  }
0x3: {  	_ = 	snop  }
0x4: {  	_ = 	snop  }
0x5: {  	_ = 	snop  }
0x6: {  	_ = 	snop  }
0x7: {  	_ = 	snop  }
__scs_overlays_trampoline_lowered:
0x8: {  	[smem:$0x3FAE] =	sst s0  }
0x9: {  	[smem:$0x3FAF] =	sst s1  }
0xa: {  	[smem:$0x3FB0] =	sst s2  }
0xb: {  	[smem:$0x3FB1] =	sst s3  }
0xc: {  	[smem:$0x3FB2] =	sst s4  }
0xd: {  	[smem:$0x3FB3] =	sst s5  }
0xe: {  	[smem:$0x3FB4] =	sst s6  }
0xf: {  	[smem:$0x3FB5] =	sst s7  }
0x10: {  	[smem:$0x3FB6] =	sst s8  }
0x11: {  	[smem:$0x3FB7] =	sst s9;
	s0 =	simm.s32 @!p0 $0x0  }
0x12: {  	s1 =	sld [smem:$0x3F9D];
	s0 =	simm.s32 @p0 $0x1  }
0x13: {  	[smem:$0x3FB8] =	sst s0;
	s0 =	simm.s32 @!p1 $0x0  }
0x14: {  	s2 =	sld [smem:$0x3F9C];
	s0 =	simm.s32 @p1 $0x1  }
0x15: {  	[smem:$0x3FB9] =	sst s0;
	s0 =	simm.s32 @!p2 $0x0  }
0x16: {  	s3 =	sld [smem:$0x3FDB];
	s0 =	simm.s32 @p2 $0x1  }
0x17: {  	s4 =	simm.s32 $0x1BF5;
	[smem:$0x3FBB] =	sst s0  }
0x18: {  	s0 =	sld [smem:$0x3F9E];
	_ =	swait.ge [sflag:s4], $0x0  }
0x19: {  	s7 =	sld [smem:$0x3F9F]  }
0x1a: {  	s8 =	sadd.s32 $0xFFFFE003, lr  }
0x1b: {  	s9 =	sadd.s32 $0xFFFFFEF7, lr;
	s5 =	simm.s32 $0xFFFFFFFF;
	p2 =	slt.u32 s8, $0xFFFFF086  }
0x1c: {  	p1 =	slt.u32 s9, $0xF7A;
	s5 =	simm.s32 @!p2 $0x0  }
0x1d: {  	s5 =	simm.s32 @p1 $0x1;
	p0 =	seq.s32 s7, s2  }
0x1e: {  	s7 =	smul.u32 @!p0 $0xF7A, s2;
	p2 =	seq.s32 @!p0 s5, $0x0  }
0x1f: {  	s9 =	smul.u32 $0xF7A, s1;
	s8 =	simm.s32 @!p0 $0x1BF5;
	p2 =	por !p2, p0  }
0x20: {  	[sflag:s8] =	ssyncset.s32 @!p0 $0xFFFFF086;
	s6 =	sadd.s32 @!p0 s3, s7;
	s7 =	simm.s32 @!p0 $0x108  }
0x21: {  	s3 =	sadd.s32 s3, s9;
	s6 =	sadd.s32 @!p0 $0x88, s6;
	s7 =	simm.s32 @p2 $0x1082  }
0x22: {  	[simem:s7], [sflag:s8] =	dma.local @!p0 [hbm:s6], $0xF7A  }
0x23: {  	s9 =	sor.u32 $0xD0000000, s2;
	s6 =	simm.s32 $0x108;
	_ =	swait.ge @!p0 [sflag:s8], $0x0  }
0x24: {  	s3 =	sadd.s32 $0x88, s3;
	s6 =	simm.s32 @!p1 $0x1082;
	[sflag:s4] =	ssyncset.s32 $0xFFFFF086  }
0x25: {  	[simem:s6], [sflag:s4] =	dma.local [hbm:s3], $0xF7A  }
0x26: {  	[smem:$0x3F9F] =	sst s1;
	(tag) =	ssettag s2;
	_ =	strace s9  }
0x27: {  	s1 =	sld [smem:$0x3FAF]  }
0x28: {  	s2 =	sld [smem:$0x3FB0]  }
0x29: {  	s4 =	sld [smem:$0x3FB2]  }
0x2a: {  	p0 =	seq.s32 s5, $0x0;
	s5 =	sld [smem:$0x3FB3]  }
0x2b: {  	s6 =	sld [smem:$0x3FB4]  }
0x2c: {  	s7 =	sld [smem:$0x3FB5]  }
0x2d: {  	s3 =	simm.s32 $0x108;
	s8 =	sld [smem:$0x3FB6]  }
0x2e: {  	s3 =	simm.s32 @!p0 $0x1082;
	s9 =	sld [smem:$0x3FB7]  }
0x2f: {  	lr =	sadd.s32 s0, s3;
	s0 =	sld [smem:$0x3FAE]  }
0x30: {  	s3 =	sld [smem:$0x3FB1]  }
0x31: {  	[smem:$0x3FBA] =	sst s10  }
0x32: {  	s10 =	sld [smem:$0x3FB8];
	_ =	sdelay $0x3  }
0x33: {  	p0 =	seq.s32 s10, $0x1;
	s10 =	sld [smem:$0x3FBA];
	_ =	sdelay $0x3  }
0x34: {  	[smem:$0x3FBA] =	sst s10  }
0x35: {  	s10 =	sld [smem:$0x3FB9];
	_ =	sdelay $0x3  }
0x36: {  	p1 =	seq.s32 s10, $0x1;
	s10 =	sld [smem:$0x3FBA];
	_ =	sdelay $0x3  }
0x37: {  	[smem:$0x3FBA] =	sst s10  }
0x38: {  	s10 =	sld [smem:$0x3FBB]  }
0x39: {  	_ = 	snop;
	(pc) =	sbr.ind lr, $3  }
0x3a: {  	_ = 	snop  }
0x3b: {  	_ = 	snop  }
0x3c: {  	p2 =	seq.s32 s10, $0x1;
	s10 =	sld [smem:$0x3FBA]  }
0x3d: {  	_ =	shalt  }
0x3e: {  	_ =	shalt  }
0x3f: {  	_ =	shalt  }
0x40: {  	_ =	shalt  }
0x41: {  	_ =	shalt  }
0x42: {  	_ =	shalt  }
0x43: {  	_ =	shalt  }
0x44: {  	_ =	shalt  }
0x45: {  	_ =	shalt  }
0x46: {  	_ =	shalt  }
0x47: {  	_ =	shalt  }
0x48: {  	_ =	shalt  }
0x49: {  	_ =	shalt  }
0x4a: {  	_ =	shalt  }
0x4b: {  	_ =	shalt  }
0x4c: {  	_ =	shalt  }
0x4d: {  	_ =	shalt  }
0x4e: {  	_ =	shalt  }
0x4f: {  	_ =	shalt  }
0x50: {  	_ =	shalt  }
0x51: {  	_ =	shalt  }
0x52: {  	_ =	shalt  }
0x53: {  	_ =	shalt  }
0x54: {  	_ =	shalt  }
0x55: {  	_ =	shalt  }
0x56: {  	_ =	shalt  }
0x57: {  	_ =	shalt  }
0x58: {  	_ =	shalt  }
0x59: {  	_ =	shalt  }
0x5a: {  	_ =	shalt  }
0x5b: {  	_ =	shalt  }
0x5c: {  	_ =	shalt  }
0x5d: {  	_ =	shalt  }
0x5e: {  	_ =	shalt  }
0x5f: {  	_ =	shalt  }
0x60: {  	_ =	shalt  }
0x61: {  	_ =	shalt  }
0x62: {  	_ =	shalt  }
0x63: {  	_ =	shalt  }
0x64: {  	_ =	shalt  }
0x65: {  	_ =	shalt  }
0x66: {  	_ =	shalt  }
0x67: {  	_ =	shalt  }
0x68: {  	_ =	shalt  }
0x69: {  	_ =	shalt  }
0x6a: {  	_ =	shalt  }
0x6b: {  	_ =	shalt  }
0x6c: {  	_ =	shalt  }
0x6d: {  	_ =	shalt  }
0x6e: {  	_ =	shalt  }
0x6f: {  	_ =	shalt  }
0x70: {  	_ =	shalt  }
0x71: {  	_ =	shalt  }
0x72: {  	_ =	shalt  }
0x73: {  	_ =	shalt  }
0x74: {  	_ =	shalt  }
0x75: {  	_ =	shalt  }
0x76: {  	_ =	shalt  }
0x77: {  	_ =	shalt  }
0x78: {  	_ =	shalt  }
0x79: {  	_ =	shalt  }
0x7a: {  	_ =	shalt  }
0x7b: {  	_ =	shalt  }
0x7c: {  	_ =	shalt  }
0x7d: {  	_ =	shalt  }
0x7e: {  	_ =	shalt  }
0x7f: {  	_ =	shalt  }
0x80: {  	_ =	shalt  }
0x81: {  	_ =	shalt  }
0x82: {  	_ =	shalt  }
0x83: {  	_ =	shalt  }
0x84: {  	_ =	shalt  }
0x85: {  	_ =	shalt  }
0x86: {  	_ =	shalt  }
0x87: {  	_ =	shalt  }
.Lfunc_end0:
.L_simem_size_0:
called_computation_lowered:
.L_overlay_start_0:
0x88: {  	s2 =	sld [smem:$0x3FD9]  }
0x89: {  	s3 =	sld [smem:$0x3FFE];
	_ =	sdelay $0x1  }
0x8a: {  	s1 =	srdreg.scid  }
0x8b: {  	s0 =	sand.u32 $0x1, s1  }
0x8c: {  	s17 =	sshll.u32 s0, $0xA;
	s2 =	sadd.s32 s3, s2  }
0x8d: {  	s2 =	sadd.s32 s2, s17  }
0x8e: {  	[smem:$0x3FC6] =	sst s2  }
0x8f: {  	_ = 	snop  }
0x90: {  	s2 =	sld [smem:$0x3FD0];
	(tm) =	ssettm $0x1  }
0x91: {  	s18 =	sld [smem:$0x3FFB];
	_ =	sdelay $0x3  }
0x92: {  	_ =	strace s18  }
0x93: {  	s3 =	sld [smem:$0x3FFC];
	_ =	sdelay $0x3  }
0x94: {  	_ =	strace s3  }
0x95: {  	s3 =	sld [smem:$0x3FFD];
	_ =	sdelay $0x3  }
0x96: {  	_ =	strace s3  }
0x97: {  	_ =	strace $0x8FFFFFFF  }
0x98: {  	s19 =	sld [smem:$0x3FDB];
	_ =	sdelay $0x1  }
0x99: {  	s4 =	simm.s32 $_scs_section_size  }
0x9a: {  	s5 =	simm.s32 $_size__tile_overlayer_lowered;
	s6 =	simm.s32 $_tile_overlayer_lowered  }
0x9b: {  	s22 =	simm.s32 $0x1BFF;
	s21 =	sshll.u32 s6, $0x1;
	s3 =	sadd.s32 s4, s19  }
0x9c: {  	s7 =	simm.s32 $0x0;
	s20 =	sshll.u32 s5, $0x1;
	s5 =	sadd.s32 s21, s3  }
0x9d: {  	[timem:s7], [sflag:s22] =	dma.local [hbm:s5], s20  }
0x9e: {  	_ =	swait.ge [sflag:s22], s20  }
0x9f: {  	s4 =	ssub.s32 $0x0, s20;
	[sflag:s22] =	ssyncset.done $0x0  }
0xa0: {  	[sflag:s22] =	ssyncadd.s32 s4;
	_ =	sdelay $0x1  }
0xa1: {  	s23 =	simm.s32 $0x1B8B  }
0xa2: {  	_ =	swait.ge [sflag:s23], $0x1  }
0xa3: {  	[sflag:s23] =	ssyncset.done $0x0  }
0xa4: {  	s25 =	simm.s32 $0x1B8E;
	s24 =	sld [smem:$0x3FFE];
	[sflag:s23] =	ssyncadd.s32 $0xFFFFFFFF  }
0xa5: {  	s26 =	simm.s32 $execute0_lowered;
	[smem:$0x3FD2] =	sst s25  }
0xa6: {  	s5 =	sshll.u32 s26, $0x1;
	_ =	strace $0x80000046;
	[dreg:$0x1] =	wrdreg $0xFFFFFFFF  }
0xa7: {  	s28 =	simm.s32 $_size_execute0_lowered;
	s3 =	sadd.s32 s3, s5;
	[dreg:$0x0] =	wrdreg $0x0  }
0xa8: {  	s5 =	sshll.u32 s28, $0x1;
	[dreg:$0x2] =	wrdreg s3  }
0xa9: {  	[dreg:$0x3] =	wrdreg s5  }
0xaa: {  	[dreg:$0x4] =	wrdreg $0xC0  }
0xab: {  	_ =	task [dreg:s7], $0x5FFFF  }
0xac: {  	[dreg:$0x1] =	wrdreg $0xFFFFFFFF  }
0xad: {  	[dreg:$0x0] =	wrdreg $0x60  }
0xae: {  	[dreg:$0x2] =	wrdreg s24  }
0xaf: {  	[dreg:$0x3] =	wrdreg s2  }
0xb0: {  	[dreg:$0x4] =	wrdreg $0x9  }
0xb1: {  	_ =	task.clear_ibuf [dreg:s7], $0x5FFFF;
	_ =	strace $0x90000046  }
0xb2: {  	s29 =	simm.s32 $0x9;
	_ =	strace $0x80000048  }
0xb3: {  	_ =	swait.ge [sflag:s29], $0x1  }
0xb4: {  	[sflag:s29] =	ssyncadd.s32 $0xFFFFFFFF  }
0xb5: {  	_ =	strace $0x90000048  }
0xb6: {  	_ =	sfence  }
0xb7: {  	s30 =	sld [smem:$0x0];
	_ =	sdelay $0x2  }
0xb8: {  	s31 =	sshll.u32 s1, $0xD;
	s1 =	sshrl.u32 s1, $0x2  }
0xb9: {  	s3 =	sand.u32 $0x4000, s31;
	s1 =	sadd.s32 s1, s30  }
0xba: {  	s0 =	sor.u32 s3, s0;
	s1 =	sshll.u32 s1, $0x11  }
0xbb: {  	s0 =	sor.u32 s1, s0  }
0xbc: {  	s0 =	sadd.s32 $0x8F2B, s0  }
0xbd: {  	[sflag:s0] =	ssyncadd.remote.s32 $0x1  }
0xbe: {  	_ =	sfence.sel $0xFFFF  }
0xbf: {  	[dreg:$0x0] =	wrdreg $0xFFFFFFFF;
	(pc) =	sbr.abs _section_cstart, $3  }
0xc0: {  	[dreg:$0x1] =	wrdreg $0xFFFFFFFF  }
0xc1: {  	_ =	task.clear_ibuf [dreg:s7], $0x2FFFF;
	_ =	strace $0x9FFFFFFF  }
0xc2: {  	(tm) =	ssettm $0x7FFFFFFF  }
0xc3: {  	_ =	shalt  }
tec
execute0_lowered:
.L_overlay_start_1:
0x0: {  	(tag) =	ssettag $0x1  }
0x1: {  	s0 =	srdreg.scid  }
0x2: {  	s4 =	sand.u32 $0x1, s0  }
0x3: {  	s3 =	rddreg [dreg:$0x0];
	s1 =	stileid.u32;
	s6 =	sshll.u32 s4, $0x4  }
0x4: {  	s5 =	rddreg [dreg:$0x1];
	s2 =	simm.s32 $0x0;
	s6 =	sor.u32 s1, s6  }
0x5: {  	s0 =	rddreg [dreg:$0x2];
	s4 =	ssub.s32 $0x2, s4;
	s6 =	smul.u32 $0x500, s6  }
0x6: {  	s9 =	simm.s32 $0x0;
	[smem:$0x7FF] =	sst s2;
	s7 =	sshrl.u32 s4, $0x1  }
0x7: {  	_ =	strace $0x80000047;
	s7 =	ssub.s32 s4, s7;
	s8 =	sadd.s32 s6, s3  }
0x8: {  	s3 =	sadd.s32 $0x14E00, s3;
	s5 =	sadd.s32 s5, s6;
	s6 =	smax.u32 s7, $0x1  }
0x9: {  	v0 =	vimm.f32 $1.000000000e+00;
	s7 =	simm.s32 $0x1;
	s4 =	sadd.s32 $0xE00, s8;
	s8 =	simm.s32 $0x2800  }
.LBB2_1:
0xa: {  	[tilespmem:s2], [sflag:$0x1] =	stream.linear.gather [hbm4b:s4+s2], $0x2800, $0x38;
	[tilespmem:$0x5000] =	vst v63  }
0xb: {  	_ =	swait.ge [sflag:s7], $0x2800  }
0xc: {  	[sflag:s7] =	ssyncset.done $0x0  }
0xd: {  	[sflag:s7] =	ssyncadd.s32 $0xFFFFD800  }
0xe: {  	[tilespmem:s8], [sflag:$0x1] =	stream.linear.gather [hbm4b:s3+s2], $0x2800, $0x38;
	[tilespmem:$0x5000] =	vst v63  }
0xf: {  	_ =	swait.ge [sflag:s7], $0x2800  }
0x10: {  	[sflag:s7] =	ssyncset.done $0x0  }
0x11: {  	s10 =	simm.s32 $0x0;
	[sflag:s7] =	ssyncadd.s32 $0xFFFFD800  }
.LBB2_2:
0x12: {  	s11 =	sshra.s32 s10, $0x2  }
0x13: {  	v1 =	vld [tilespmem:s11+$0x0];
	_ =	sdelay $0x7  }
0x14: {  	[tilespmem:v1+s8+$0x0] =	vst.idx.add.f32.msk $0xffff, v0  }
0x15: {  	v1 =	vld [tilespmem:s11+$0x10];
	_ =	sdelay $0x7  }
0x16: {  	[tilespmem:v1+s8+$0x0] =	vst.idx.add.f32.msk $0xffff, v0  }
0x17: {  	v1 =	vld [tilespmem:s11+$0x20];
	_ =	sdelay $0x7  }
0x18: {  	[tilespmem:v1+s8+$0x0] =	vst.idx.add.f32.msk $0xffff, v0  }
0x19: {  	v1 =	vld [tilespmem:s11+$0x30];
	_ =	sdelay $0x7  }
0x1a: {  	[tilespmem:v1+s8+$0x0] =	vst.idx.add.f32.msk $0xffff, v0  }
0x1b: {  	v1 =	vld [tilespmem:s11+$0x40];
	_ =	sdelay $0x7  }
0x1c: {  	[tilespmem:v1+s8+$0x0] =	vst.idx.add.f32.msk $0xffff, v0  }
0x1d: {  	v1 =	vld [tilespmem:s11+$0x50];
	_ =	sdelay $0x7  }
0x1e: {  	[tilespmem:v1+s8+$0x0] =	vst.idx.add.f32.msk $0xffff, v0  }
0x1f: {  	v1 =	vld [tilespmem:s11+$0x60];
	_ =	sdelay $0x7  }
0x20: {  	[tilespmem:v1+s8+$0x0] =	vst.idx.add.f32.msk $0xffff, v0  }
0x21: {  	v1 =	vld [tilespmem:s11+$0x70];
	_ =	sdelay $0x2  }
0x22: {  	p0 =	sne.s32 s10, $0x9E00  }
.Ltmp0:
0x23: {  	_ = 	snop;
	(pc) =	sbr.rel @p0 .LBB2_2-.Ltmp0, $2  }
0x24: {  	_ =	sdelay $0x2  }
0x25: {  	s10 =	sadd.s32 $0x200, s10;
	[tilespmem:v1+s8+$0x0] =	vst.idx.add.f32.msk $0xffff, v0  }
0x26: {  	s9 =	sadd.s32 $0x1, s9  }
0x27: {  	p0 =	sne.s32 s9, s6  }
.Ltmp1:
0x28: {  	_ = 	snop;
	(pc) =	sbr.rel @p0 .LBB2_1-.Ltmp1, $4  }
0x29: {  	[hbm4b:s5+s2] =	stream.linear.scatter [tilespmem:s8], [sflag:$0x1], $0x2800, $0x38;
	[tilespmem:$0x5000] =	vst v63  }
0x2a: {  	_ =	swait.ge [sflag:s7], $0x2800  }
0x2b: {  	[sflag:s7] =	ssyncset.done $0x0  }
0x2c: {  	[sflag:s7] =	ssyncadd.s32 $0xFFFFD800  }
0x2d: {  	_ =	sfence.sel $0x180000  }
0x2e: {  	[bflag:$0x0] =	sbarrier.arrive $0xFFFF  }
0x2f: {  	p0 =	sne.s32 s1, $0x0;
	_ =	strace $0x90000047  }
0x30: {  	s0 =	sadd.s32 @!p0 $0x100000, s0;
	[bflag:$0x2] =	sbarrier.arrive $0xFFFF  }
0x31: {  	[sflag:s0] =	ssyncadd.tile.s32 @!p0 $0x1;
	_ =	shalt  }
.Lfunc_end2:
_tile_overlayer_lowered:
.L_overlay_start_2:
0x32: {  	(tag) =	ssettag $0x2  }
0x33: {  	s0 =	rddreg [dreg:$0x0];
	s2 =	stileid.u32  }
0x34: {  	s1 =	rddreg [dreg:$0x1];
	p0 =	sne.s32 s2, $0x0  }
0x35: {  	s3 =	rddreg [dreg:$0x2];
	[bflag:$0x3] =	sbarrier.arrive $0xFFFF;
	s2 =	simm.s32 @!p0 $0x1C01  }
0x36: {  	[timem:s3], [sflag:s2] =	dma.local @!p0 [hbm:s0], s1  }
0x37: {  	s0 =	simm.s32 @!p0 $0x1  }
0x38: {  	_ =	swait.ge @!p0 [sflag:s0], s1  }
0x39: {  	s1 =	ssub.s32 @!p0 $0x0, s1;
	[sflag:s0] =	ssyncset.done @!p0 $0x0  }
0x3a: {  	[sflag:s0] =	ssyncadd.s32 @!p0 s1  }
0x3b: {  	[bflag:$0x3] =	sbarrier.arrive $0xFFFF  }
0x3c: {  	_ =	shalt  }

// kernel: kernel.9.cloned.1.call-start
scs
__scs_entry_jumppad:
0x0: {  	(pc) =	sbr.rel $0x88, $3  }
0x1: {  	(tag) =	ssettag $0x0;
	lr =	simm.s32 $0x1  }
0x2: {  	[smem:$0x3F9F] =	sst lr;
	_ =	strace $0xD0000000  }
0x3: {  	_ = 	snop  }
0x4: {  	_ = 	snop  }
0x5: {  	_ = 	snop  }
0x6: {  	_ = 	snop  }
0x7: {  	_ = 	snop  }
__scs_overlays_trampoline_lowered:
0x8: {  	[smem:$0x3FAE] =	sst s0  }
0x9: {  	[smem:$0x3FAF] =	sst s1  }
0xa: {  	[smem:$0x3FB0] =	sst s2  }
0xb: {  	[smem:$0x3FB1] =	sst s3  }
0xc: {  	[smem:$0x3FB2] =	sst s4  }
0xd: {  	[smem:$0x3FB3] =	sst s5  }
0xe: {  	[smem:$0x3FB4] =	sst s6  }
0xf: {  	[smem:$0x3FB5] =	sst s7  }
0x10: {  	[smem:$0x3FB6] =	sst s8  }
0x11: {  	[smem:$0x3FB7] =	sst s9;
	s0 =	simm.s32 @!p0 $0x0  }
0x12: {  	s1 =	sld [smem:$0x3F9D];
	s0 =	simm.s32 @p0 $0x1  }
0x13: {  	[smem:$0x3FB8] =	sst s0;
	s0 =	simm.s32 @!p1 $0x0  }
0x14: {  	s2 =	sld [smem:$0x3F9C];
	s0 =	simm.s32 @p1 $0x1  }
0x15: {  	[smem:$0x3FB9] =	sst s0;
	s0 =	simm.s32 @!p2 $0x0  }
0x16: {  	s3 =	sld [smem:$0x3FDB];
	s0 =	simm.s32 @p2 $0x1  }
0x17: {  	s4 =	simm.s32 $0x1BF5;
	[smem:$0x3FBB] =	sst s0  }
0x18: {  	s0 =	sld [smem:$0x3F9E];
	_ =	swait.ge [sflag:s4], $0x0  }
0x19: {  	s7 =	sld [smem:$0x3F9F]  }
0x1a: {  	s8 =	sadd.s32 $0xFFFFE003, lr  }
0x1b: {  	s9 =	sadd.s32 $0xFFFFFEF7, lr;
	s5 =	simm.s32 $0xFFFFFFFF;
	p2 =	slt.u32 s8, $0xFFFFF086  }
0x1c: {  	p1 =	slt.u32 s9, $0xF7A;
	s5 =	simm.s32 @!p2 $0x0  }
0x1d: {  	s5 =	simm.s32 @p1 $0x1;
	p0 =	seq.s32 s7, s2  }
0x1e: {  	s7 =	smul.u32 @!p0 $0xF7A, s2;
	p2 =	seq.s32 @!p0 s5, $0x0  }
0x1f: {  	s9 =	smul.u32 $0xF7A, s1;
	s8 =	simm.s32 @!p0 $0x1BF5;
	p2 =	por !p2, p0  }
0x20: {  	[sflag:s8] =	ssyncset.s32 @!p0 $0xFFFFF086;
	s6 =	sadd.s32 @!p0 s3, s7;
	s7 =	simm.s32 @!p0 $0x108  }
0x21: {  	s3 =	sadd.s32 s3, s9;
	s6 =	sadd.s32 @!p0 $0x88, s6;
	s7 =	simm.s32 @p2 $0x1082  }
0x22: {  	[simem:s7], [sflag:s8] =	dma.local @!p0 [hbm:s6], $0xF7A  }
0x23: {  	s9 =	sor.u32 $0xD0000000, s2;
	s6 =	simm.s32 $0x108;
	_ =	swait.ge @!p0 [sflag:s8], $0x0  }
0x24: {  	s3 =	sadd.s32 $0x88, s3;
	s6 =	simm.s32 @!p1 $0x1082;
	[sflag:s4] =	ssyncset.s32 $0xFFFFF086  }
0x25: {  	[simem:s6], [sflag:s4] =	dma.local [hbm:s3], $0xF7A  }
0x26: {  	[smem:$0x3F9F] =	sst s1;
	(tag) =	ssettag s2;
	_ =	strace s9  }
0x27: {  	s1 =	sld [smem:$0x3FAF]  }
0x28: {  	s2 =	sld [smem:$0x3FB0]  }
0x29: {  	s4 =	sld [smem:$0x3FB2]  }
0x2a: {  	p0 =	seq.s32 s5, $0x0;
	s5 =	sld [smem:$0x3FB3]  }
0x2b: {  	s6 =	sld [smem:$0x3FB4]  }
0x2c: {  	s7 =	sld [smem:$0x3FB5]  }
0x2d: {  	s3 =	simm.s32 $0x108;
	s8 =	sld [smem:$0x3FB6]  }
0x2e: {  	s3 =	simm.s32 @!p0 $0x1082;
	s9 =	sld [smem:$0x3FB7]  }
0x2f: {  	lr =	sadd.s32 s0, s3;
	s0 =	sld [smem:$0x3FAE]  }
0x30: {  	s3 =	sld [smem:$0x3FB1]  }
0x31: {  	[smem:$0x3FBA] =	sst s10  }
0x32: {  	s10 =	sld [smem:$0x3FB8];
	_ =	sdelay $0x3  }
0x33: {  	p0 =	seq.s32 s10, $0x1;
	s10 =	sld [smem:$0x3FBA];
	_ =	sdelay $0x3  }
0x34: {  	[smem:$0x3FBA] =	sst s10  }
0x35: {  	s10 =	sld [smem:$0x3FB9];
	_ =	sdelay $0x3  }
0x36: {  	p1 =	seq.s32 s10, $0x1;
	s10 =	sld [smem:$0x3FBA];
	_ =	sdelay $0x3  }
0x37: {  	[smem:$0x3FBA] =	sst s10  }
0x38: {  	s10 =	sld [smem:$0x3FBB]  }
0x39: {  	_ = 	snop;
	(pc) =	sbr.ind lr, $3  }
0x3a: {  	_ = 	snop  }
0x3b: {  	_ = 	snop  }
0x3c: {  	p2 =	seq.s32 s10, $0x1;
	s10 =	sld [smem:$0x3FBA]  }
0x3d: {  	_ =	shalt  }
0x3e: {  	_ =	shalt  }
0x3f: {  	_ =	shalt  }
0x40: {  	_ =	shalt  }
0x41: {  	_ =	shalt  }
0x42: {  	_ =	shalt  }
0x43: {  	_ =	shalt  }
0x44: {  	_ =	shalt  }
0x45: {  	_ =	shalt  }
0x46: {  	_ =	shalt  }
0x47: {  	_ =	shalt  }
0x48: {  	_ =	shalt  }
0x49: {  	_ =	shalt  }
0x4a: {  	_ =	shalt  }
0x4b: {  	_ =	shalt  }
0x4c: {  	_ =	shalt  }
0x4d: {  	_ =	shalt  }
0x4e: {  	_ =	shalt  }
0x4f: {  	_ =	shalt  }
0x50: {  	_ =	shalt  }
0x51: {  	_ =	shalt  }
0x52: {  	_ =	shalt  }
0x53: {  	_ =	shalt  }
0x54: {  	_ =	shalt  }
0x55: {  	_ =	shalt  }
0x56: {  	_ =	shalt  }
0x57: {  	_ =	shalt  }
0x58: {  	_ =	shalt  }
0x59: {  	_ =	shalt  }
0x5a: {  	_ =	shalt  }
0x5b: {  	_ =	shalt  }
0x5c: {  	_ =	shalt  }
0x5d: {  	_ =	shalt  }
0x5e: {  	_ =	shalt  }
0x5f: {  	_ =	shalt  }
0x60: {  	_ =	shalt  }
0x61: {  	_ =	shalt  }
0x62: {  	_ =	shalt  }
0x63: {  	_ =	shalt  }
0x64: {  	_ =	shalt  }
0x65: {  	_ =	shalt  }
0x66: {  	_ =	shalt  }
0x67: {  	_ =	shalt  }
0x68: {  	_ =	shalt  }
0x69: {  	_ =	shalt  }
0x6a: {  	_ =	shalt  }
0x6b: {  	_ =	shalt  }
0x6c: {  	_ =	shalt  }
0x6d: {  	_ =	shalt  }
0x6e: {  	_ =	shalt  }
0x6f: {  	_ =	shalt  }
0x70: {  	_ =	shalt  }
0x71: {  	_ =	shalt  }
0x72: {  	_ =	shalt  }
0x73: {  	_ =	shalt  }
0x74: {  	_ =	shalt  }
0x75: {  	_ =	shalt  }
0x76: {  	_ =	shalt  }
0x77: {  	_ =	shalt  }
0x78: {  	_ =	shalt  }
0x79: {  	_ =	shalt  }
0x7a: {  	_ =	shalt  }
0x7b: {  	_ =	shalt  }
0x7c: {  	_ =	shalt  }
0x7d: {  	_ =	shalt  }
0x7e: {  	_ =	shalt  }
0x7f: {  	_ =	shalt  }
0x80: {  	_ =	shalt  }
0x81: {  	_ =	shalt  }
0x82: {  	_ =	shalt  }
0x83: {  	_ =	shalt  }
0x84: {  	_ =	shalt  }
0x85: {  	_ =	shalt  }
0x86: {  	_ =	shalt  }
0x87: {  	_ =	shalt  }
.Lfunc_end0:
.L_simem_size_0:
called_computation.1_lowered:
.L_overlay_start_0:
0x88: {  	s2 =	sld [smem:$0x3FD9]  }
0x89: {  	s3 =	sld [smem:$0x3FFE];
	_ =	sdelay $0x1  }
0x8a: {  	s1 =	srdreg.scid  }
0x8b: {  	s0 =	sand.u32 $0x1, s1  }
0x8c: {  	s17 =	sshll.u32 s0, $0xA;
	s2 =	sadd.s32 s3, s2  }
0x8d: {  	s2 =	sadd.s32 s2, s17  }
0x8e: {  	[smem:$0x3FC6] =	sst s2  }
0x8f: {  	_ = 	snop  }
0x90: {  	s2 =	sld [smem:$0x3FD0];
	(tm) =	ssettm $0x1  }
0x91: {  	s18 =	sld [smem:$0x3FFB];
	_ =	sdelay $0x3  }
0x92: {  	_ =	strace s18  }
0x93: {  	s3 =	sld [smem:$0x3FFC];
	_ =	sdelay $0x3  }
0x94: {  	_ =	strace s3  }
0x95: {  	s3 =	sld [smem:$0x3FFD];
	_ =	sdelay $0x3  }
0x96: {  	_ =	strace s3  }
0x97: {  	_ =	strace $0x8FFFFFFF  }
0x98: {  	s19 =	sld [smem:$0x3FDB];
	_ =	sdelay $0x1  }
0x99: {  	s4 =	simm.s32 $_scs_section_size  }
0x9a: {  	s5 =	simm.s32 $_size__tile_overlayer_lowered;
	s6 =	simm.s32 $_tile_overlayer_lowered  }
0x9b: {  	s22 =	simm.s32 $0x1BFF;
	s21 =	sshll.u32 s6, $0x1;
	s3 =	sadd.s32 s4, s19  }
0x9c: {  	s7 =	simm.s32 $0x0;
	s20 =	sshll.u32 s5, $0x1;
	s5 =	sadd.s32 s21, s3  }
0x9d: {  	[timem:s7], [sflag:s22] =	dma.local [hbm:s5], s20  }
0x9e: {  	_ =	swait.ge [sflag:s22], s20  }
0x9f: {  	s4 =	ssub.s32 $0x0, s20;
	[sflag:s22] =	ssyncset.done $0x0  }
0xa0: {  	[sflag:s22] =	ssyncadd.s32 s4;
	_ =	sdelay $0x1  }
0xa1: {  	s23 =	simm.s32 $0x1B8B  }
0xa2: {  	_ =	swait.ge [sflag:s23], $0x1  }
0xa3: {  	[sflag:s23] =	ssyncset.done $0x0  }
0xa4: {  	s25 =	simm.s32 $0x1B8E;
	s24 =	sld [smem:$0x3FFE];
	[sflag:s23] =	ssyncadd.s32 $0xFFFFFFFF  }
0xa5: {  	s26 =	simm.s32 $execute0_lowered;
	[smem:$0x3FD2] =	sst s25  }
0xa6: {  	s5 =	sshll.u32 s26, $0x1;
	_ =	strace $0x80000049;
	[dreg:$0x1] =	wrdreg $0xFFFFFFFF  }
0xa7: {  	s28 =	simm.s32 $_size_execute0_lowered;
	s3 =	sadd.s32 s3, s5;
	[dreg:$0x0] =	wrdreg $0x0  }
0xa8: {  	s5 =	sshll.u32 s28, $0x1;
	[dreg:$0x2] =	wrdreg s3  }
0xa9: {  	[dreg:$0x3] =	wrdreg s5  }
0xaa: {  	[dreg:$0x4] =	wrdreg $0xC0  }
0xab: {  	_ =	task [dreg:s7], $0x5FFFF  }
0xac: {  	[dreg:$0x1] =	wrdreg $0xFFFFFFFF  }
0xad: {  	[dreg:$0x0] =	wrdreg $0x60  }
0xae: {  	[dreg:$0x2] =	wrdreg s24  }
0xaf: {  	[dreg:$0x3] =	wrdreg s2  }
0xb0: {  	[dreg:$0x4] =	wrdreg $0x10000  }
0xb1: {  	[dreg:$0x5] =	wrdreg $0x9  }
0xb2: {  	_ =	task.clear_ibuf [dreg:s7], $0x6FFFF;
	_ =	strace $0x90000049  }
0xb3: {  	s29 =	simm.s32 $0x9;
	_ =	strace $0x8000004B  }
0xb4: {  	_ =	swait.ge [sflag:s29], $0x1  }
0xb5: {  	[sflag:s29] =	ssyncadd.s32 $0xFFFFFFFF  }
0xb6: {  	_ =	strace $0x9000004B  }
0xb7: {  	_ =	sfence  }
0xb8: {  	s30 =	sld [smem:$0x0];
	_ =	sdelay $0x2  }
0xb9: {  	s31 =	sshll.u32 s1, $0xD;
	s1 =	sshrl.u32 s1, $0x2  }
0xba: {  	s3 =	sand.u32 $0x4000, s31;
	s1 =	sadd.s32 s1, s30  }
0xbb: {  	s0 =	sor.u32 s3, s0;
	s1 =	sshll.u32 s1, $0x11  }
0xbc: {  	s0 =	sor.u32 s1, s0  }
0xbd: {  	s0 =	sadd.s32 $0x8F2B, s0  }
0xbe: {  	[sflag:s0] =	ssyncadd.remote.s32 $0x1  }
0xbf: {  	_ =	sfence.sel $0xFFFF  }
0xc0: {  	[dreg:$0x0] =	wrdreg $0xFFFFFFFF;
	(pc) =	sbr.abs _section_cstart, $3  }
0xc1: {  	[dreg:$0x1] =	wrdreg $0xFFFFFFFF  }
0xc2: {  	_ =	task.clear_ibuf [dreg:s7], $0x2FFFF;
	_ =	strace $0x9FFFFFFF  }
0xc3: {  	(tm) =	ssettm $0x7FFFFFFF  }
tec
execute0_lowered:
.L_overlay_start_1:
0x0: {  	(tag) =	ssettag $0x1  }
0x1: {  	s0 =	srdreg.scid;
	s1 =	rddreg [dreg:$0x0]  }
0x2: {  	s5 =	stileid.u32;
	s2 =	rddreg [dreg:$0x2]  }
0x3: {  	s3 =	simm.s32 $0x0;
	s13 =	simm.s32 $0x880;
	s14 =	simm.s32 $0x900  }
0x4: {  	s15 =	simm.s32 $0x980;
	s16 =	simm.s32 $0x100;
	[smem:$0x7FF] =	sst s3  }
0x5: {  	s17 =	simm.s32 $0x180;
	_ =	strace $0x8000004A;
	[dreg:$0x6] =	wrdreg s13  }
0x6: {  	s18 =	simm.s32 $0xA00;
	s8 =	simm.s32 $0x5;
	[dreg:$0x7] =	wrdreg s14  }
0x7: {  	s19 =	simm.s32 $0xA80;
	s9 =	simm.s32 $0x800;
	[dreg:$0x8] =	wrdreg s15  }
0x8: {  	s20 =	simm.s32 $0x200;
	s21 =	simm.s32 $0x280;
	[dreg:$0x9] =	wrdreg s16  }
0x9: {  	s22 =	simm.s32 $0xB00;
	s23 =	simm.s32 $0xB80;
	[dreg:$0xa] =	wrdreg s17  }
0xa: {  	s24 =	simm.s32 $0x300;
	s25 =	simm.s32 $0x380;
	[dreg:$0xb] =	wrdreg s18  }
0xb: {  	s26 =	simm.s32 $0xC00;
	s28 =	simm.s32 $0x680;
	[dreg:$0xc] =	wrdreg s19  }
0xc: {  	s29 =	simm.s32 $0xF00;
	s30 =	simm.s32 $0xF80;
	[dreg:$0xd] =	wrdreg s20  }
0xd: {  	s31 =	simm.s32 $0x700;
	s0 =	sand.u32 $0x1, s0;
	[dreg:$0xe] =	wrdreg s21  }
0xe: {  	s4 =	smul.u32 $0x2800, s5;
	p0 =	sne.s32 s5, $0x0;
	[dreg:$0xf] =	wrdreg s22  }
0xf: {  	s6 =	smul.u32 $0x28000, s0;
	s0 =	ssub.s32 $0x2, s0;
	[dreg:$0x10] =	wrdreg s23  }
0x10: {  	s13 =	simm.s32 $0x1;
	s14 =	simm.s32 $0x2;
	[dreg:$0x11] =	wrdreg s24  }
0x11: {  	s15 =	simm.s32 $0x3;
	[dreg:$0x12] =	wrdreg s25;
	s16 =	simm.s32 $0x4  }
0x12: {  	[dreg:$0x13] =	wrdreg s26;
	s17 =	simm.s32 $0xC80;
	s18 =	simm.s32 $0x400  }
0x13: {  	s19 =	simm.s32 $0x480;
	s20 =	simm.s32 $0xD00;
	s21 =	simm.s32 $0xD80  }
0x14: {  	s22 =	simm.s32 $0x500;
	s23 =	simm.s32 $0x580;
	s24 =	simm.s32 $0xE00  }
0x15: {  	s25 =	simm.s32 $0xE80;
	s12 =	sshrl.u32 s0, $0x1;
	s4 =	sadd.s32 s4, s6  }
0x16: {  	s26 =	simm.s32 $0x600;
	s0 =	ssub.s32 s0, s12;
	s4 =	sshrl.u32 s4, $0x3  }
0x17: {  	s0 =	smax.u32 s0, $0x1;
	s7 =	sadd.s32 s4, s1;
	s4 =	sadd.s32 $0x14E00, s1  }
0x18: {  	s1 =	sadd.s32 s6, s1;
	[dreg:$0x15] =	wrdreg s0;
	s6 =	sshrl.u32 @!p0 s2, $0x3  }
0x19: {  	s12 =	simm.s32 $0x19000;
	s10 =	sadd.s32 $0xAE00, s7;
	[dreg:$0x16] =	wrdreg s6  }
0x1a: {  	s0 =	simm.s32 $0x780;
	s11 =	sadd.s32 $0xE00, s7;
	[dreg:$0x4] =	wrdreg s10  }
0x1b: {  	s1 =	sadd.s32 $0x3C000, s1;
	s7 =	simm.s32 $0x0;
	[dreg:$0x5] =	wrdreg s11  }
0x1c: {  	[dreg:$0x14] =	wrdreg s1;
	s10 =	simm.s32 $0x80;
	s11 =	simm.s32 $0x15000  }
.LBB2_1:
0x1d: {  	[dreg:$0x17] =	wrdreg s7  }
0x1e: {  	s5 =	simm.s32 @!p0 $0x1C05;
	s1 =	rddreg [dreg:$0x1]  }
0x1f: {  	[spmem:s6], [sflag:s5] =	dma.local @!p0 [hbm:s1], $0x28000  }
0x20: {  	s5 =	simm.s32 @!p0 $0x5  }
0x21: {  	_ =	swait.ge @!p0 [sflag:s5], $0x28000  }
0x22: {  	[sflag:s5] =	ssyncset.done @!p0 $0x0  }
0x23: {  	[sflag:s5] =	ssyncadd.s32 @!p0 $0xFFFD8000  }
0x24: {  	[bflag:$0x0] =	sbarrier.arrive $0xFFFF  }
0x25: {  	s6 =	rddreg [dreg:$0x5]  }
0x26: {  	s5 =	sadd.s32 $0x0, s6  }
0x27: {  	[tilespmem:s3], [sflag:$0x5] =	stream.linear.gather [hbm4b:s5+s3], $0x800, $0x38;
	[tilespmem:$0x1D000] =	vst v63  }
0x28: {  	_ =	swait.ge [sflag:s8], $0x800  }
0x29: {  	s7 =	rddreg [dreg:$0x4];
	[sflag:s8] =	ssyncset.done $0x0  }
0x2a: {  	[sflag:s8] =	ssyncadd.s32 $0xFFFFF800;
	s5 =	sadd.s32 $0x0, s7  }
0x2b: {  	[tilespmem:s9], [sflag:$0x5] =	stream.linear.gather [hbm4b:s5+s3], $0x800, $0x38;
	[tilespmem:$0x1D000] =	vst v63  }
0x2c: {  	_ =	swait.ge [sflag:s8], $0x800  }
0x2d: {  	[sflag:s8] =	ssyncset.done $0x0  }
0x2e: {  	[sflag:s8] =	ssyncadd.s32 $0xFFFFF800  }
0x2f: {  	[tilespmem:s11], [sflag:$0x1] =	stream.indirect.gather [hbm4b:s4+s10], $0x80, s9, s10, $0xb8;
	[tilespmem:$0x1D000] =	vst v63  }
0x30: {  	s1 =	rddreg [dreg:$0x6]  }
0x31: {  	[tilespmem:s12], [sflag:$0x2] =	stream.indirect.gather [hbm4b:s4+s10], $0x80, s1, s10, $0xb8;
	[tilespmem:$0x1D000] =	vst v63  }
0x32: {  	_ =	swait.ge [sflag:s13], $0x4000  }
0x33: {  	[sflag:s13] =	ssyncset.done $0x0  }
0x34: {  	[sflag:s13] =	ssyncadd.s32 $0xFFFFC000  }
0x35: {  	[spmem:s2] =	stream.indirect.scatter.add.f32 [tilespmem:s11], [sflag:$0x3], $0x80, s3, s10, $0xb8;
	[tilespmem:$0x1D000] =	vst v63  }
0x36: {  	_ =	swait.ge [sflag:s14], $0x4000  }
0x37: {  	[sflag:s14] =	ssyncset.done $0x0  }
0x38: {  	[sflag:s14] =	ssyncadd.s32 $0xFFFFC000  }
0x39: {  	[spmem:s2] =	stream.indirect.scatter.add.f32 [tilespmem:s12], [sflag:$0x4], $0x80, s10, s10, $0xb8;
	[tilespmem:$0x1D000] =	vst v63  }
0x3a: {  	_ =	swait.ge [sflag:s15], $0x4000  }
0x3b: {  	[sflag:s15] =	ssyncset.done $0x0  }
0x3c: {  	[sflag:s15] =	ssyncadd.s32 $0xFFFFC000  }
0x3d: {  	_ =	swait.ge [sflag:s16], $0x4000  }
0x3e: {  	[sflag:s16] =	ssyncset.done $0x0  }
0x3f: {  	s6 =	rddreg [dreg:$0x7];
	[sflag:s16] =	ssyncadd.s32 $0xFFFFC000  }
0x40: {  	[tilespmem:s11], [sflag:$0x1] =	stream.indirect.gather [hbm4b:s4+s10], $0x80, s6, s10, $0xb8;
	[tilespmem:$0x1D000] =	vst v63  }
0x41: {  	s7 =	rddreg [dreg:$0x8]  }
0x42: {  	[tilespmem:s12], [sflag:$0x2] =	stream.indirect.gather [hbm4b:s4+s10], $0x80, s7, s10, $0xb8;
	[tilespmem:$0x1D000] =	vst v63  }
0x43: {  	_ =	swait.ge [sflag:s13], $0x4000  }
0x44: {  	[sflag:s13] =	ssyncset.done $0x0  }
0x45: {  	s1 =	rddreg [dreg:$0x9];
	[sflag:s13] =	ssyncadd.s32 $0xFFFFC000  }
0x46: {  	[spmem:s2] =	stream.indirect.scatter.add.f32 [tilespmem:s11], [sflag:$0x3], $0x80, s1, s10, $0xb8;
	[tilespmem:$0x1D000] =	vst v63  }
0x47: {  	_ =	swait.ge [sflag:s14], $0x4000  }
0x48: {  	[sflag:s14] =	ssyncset.done $0x0  }
0x49: {  	s6 =	rddreg [dreg:$0xa];
	[sflag:s14] =	ssyncadd.s32 $0xFFFFC000  }
0x4a: {  	[spmem:s2] =	stream.indirect.scatter.add.f32 [tilespmem:s12], [sflag:$0x4], $0x80, s6, s10, $0xb8;
	[tilespmem:$0x1D000] =	vst v63  }
0x4b: {  	_ =	swait.ge [sflag:s15], $0x4000  }
0x4c: {  	[sflag:s15] =	ssyncset.done $0x0  }
0x4d: {  	[sflag:s15] =	ssyncadd.s32 $0xFFFFC000  }
0x4e: {  	_ =	swait.ge [sflag:s16], $0x4000  }
0x4f: {  	[sflag:s16] =	ssyncset.done $0x0  }
0x50: {  	s7 =	rddreg [dreg:$0xb];
	[sflag:s16] =	ssyncadd.s32 $0xFFFFC000  }
0x51: {  	[tilespmem:s11], [sflag:$0x1] =	stream.indirect.gather [hbm4b:s4+s10], $0x80, s7, s10, $0xb8;
	[tilespmem:$0x1D000] =	vst v63  }
0x52: {  	s1 =	rddreg [dreg:$0xc]  }
0x53: {  	[tilespmem:s12], [sflag:$0x2] =	stream.indirect.gather [hbm4b:s4+s10], $0x80, s1, s10, $0xb8;
	[tilespmem:$0x1D000] =	vst v63  }
0x54: {  	_ =	swait.ge [sflag:s13], $0x4000  }
0x55: {  	[sflag:s13] =	ssyncset.done $0x0  }
0x56: {  	s7 =	rddreg [dreg:$0xd];
	[sflag:s13] =	ssyncadd.s32 $0xFFFFC000  }
0x57: {  	[spmem:s2] =	stream.indirect.scatter.add.f32 [tilespmem:s11], [sflag:$0x3], $0x80, s7, s10, $0xb8;
	[tilespmem:$0x1D000] =	vst v63  }
0x58: {  	_ =	swait.ge [sflag:s14], $0x4000  }
0x59: {  	[sflag:s14] =	ssyncset.done $0x0  }
0x5a: {  	s1 =	rddreg [dreg:$0xe];
	[sflag:s14] =	ssyncadd.s32 $0xFFFFC000  }
0x5b: {  	[spmem:s2] =	stream.indirect.scatter.add.f32 [tilespmem:s12], [sflag:$0x4], $0x80, s1, s10, $0xb8;
	[tilespmem:$0x1D000] =	vst v63  }
0x5c: {  	_ =	swait.ge [sflag:s15], $0x4000  }
0x5d: {  	[sflag:s15] =	ssyncset.done $0x0  }
0x5e: {  	[sflag:s15] =	ssyncadd.s32 $0xFFFFC000  }
0x5f: {  	_ =	swait.ge [sflag:s16], $0x4000  }
0x60: {  	[sflag:s16] =	ssyncset.done $0x0  }
0x61: {  	s6 =	rddreg [dreg:$0xf];
	[sflag:s16] =	ssyncadd.s32 $0xFFFFC000  }
0x62: {  	[tilespmem:s11], [sflag:$0x1] =	stream.indirect.gather [hbm4b:s4+s10], $0x80, s6, s10, $0xb8;
	[tilespmem:$0x1D000] =	vst v63  }
0x63: {  	s7 =	rddreg [dreg:$0x10]  }
0x64: {  	[tilespmem:s12], [sflag:$0x2] =	stream.indirect.gather [hbm4b:s4+s10], $0x80, s7, s10, $0xb8;
	[tilespmem:$0x1D000] =	vst v63  }
0x65: {  	_ =	swait.ge [sflag:s13], $0x4000  }
0x66: {  	[sflag:s13] =	ssyncset.done $0x0  }
0x67: {  	s1 =	rddreg [dreg:$0x11];
	[sflag:s13] =	ssyncadd.s32 $0xFFFFC000  }
0x68: {  	[spmem:s2] =	stream.indirect.scatter.add.f32 [tilespmem:s11], [sflag:$0x3], $0x80, s1, s10, $0xb8;
	[tilespmem:$0x1D000] =	vst v63  }
0x69: {  	_ =	swait.ge [sflag:s14], $0x4000  }
0x6a: {  	[sflag:s14] =	ssyncset.done $0x0  }
0x6b: {  	s6 =	rddreg [dreg:$0x12];
	[sflag:s14] =	ssyncadd.s32 $0xFFFFC000  }
0x6c: {  	[spmem:s2] =	stream.indirect.scatter.add.f32 [tilespmem:s12], [sflag:$0x4], $0x80, s6, s10, $0xb8;
	[tilespmem:$0x1D000] =	vst v63  }
0x6d: {  	_ =	swait.ge [sflag:s15], $0x4000  }
0x6e: {  	[sflag:s15] =	ssyncset.done $0x0  }
0x6f: {  	[sflag:s15] =	ssyncadd.s32 $0xFFFFC000  }
0x70: {  	_ =	swait.ge [sflag:s16], $0x4000  }
0x71: {  	[sflag:s16] =	ssyncset.done $0x0  }
0x72: {  	s7 =	rddreg [dreg:$0x13];
	[sflag:s16] =	ssyncadd.s32 $0xFFFFC000  }
0x73: {  	[tilespmem:s11], [sflag:$0x1] =	stream.indirect.gather [hbm4b:s4+s10], $0x80, s7, s10, $0xb8;
	[tilespmem:$0x1D000] =	vst v63  }
0x74: {  	_ = 	snop  }
0x75: {  	[tilespmem:s12], [sflag:$0x2] =	stream.indirect.gather [hbm4b:s4+s10], $0x80, s17, s10, $0xb8;
	[tilespmem:$0x1D000] =	vst v63  }
0x76: {  	_ =	swait.ge [sflag:s13], $0x4000  }
0x77: {  	[sflag:s13] =	ssyncset.done $0x0  }
0x78: {  	[sflag:s13] =	ssyncadd.s32 $0xFFFFC000  }
0x79: {  	[spmem:s2] =	stream.indirect.scatter.add.f32 [tilespmem:s11], [sflag:$0x3], $0x80, s18, s10, $0xb8;
	[tilespmem:$0x1D000] =	vst v63  }
0x7a: {  	_ =	swait.ge [sflag:s14], $0x4000  }
0x7b: {  	[sflag:s14] =	ssyncset.done $0x0  }
0x7c: {  	[sflag:s14] =	ssyncadd.s32 $0xFFFFC000  }
0x7d: {  	[spmem:s2] =	stream.indirect.scatter.add.f32 [tilespmem:s12], [sflag:$0x4], $0x80, s19, s10, $0xb8;
	[tilespmem:$0x1D000] =	vst v63  }
0x7e: {  	_ =	swait.ge [sflag:s15], $0x4000  }
0x7f: {  	[sflag:s15] =	ssyncset.done $0x0  }
0x80: {  	[sflag:s15] =	ssyncadd.s32 $0xFFFFC000  }
0x81: {  	_ =	swait.ge [sflag:s16], $0x4000  }
0x82: {  	[sflag:s16] =	ssyncset.done $0x0  }
0x83: {  	[sflag:s16] =	ssyncadd.s32 $0xFFFFC000  }
0x84: {  	[tilespmem:s11], [sflag:$0x1] =	stream.indirect.gather [hbm4b:s4+s10], $0x80, s20, s10, $0xb8;
	[tilespmem:$0x1D000] =	vst v63  }
0x85: {  	_ = 	snop  }
0x86: {  	[tilespmem:s12], [sflag:$0x2] =	stream.indirect.gather [hbm4b:s4+s10], $0x80, s21, s10, $0xb8;
	[tilespmem:$0x1D000] =	vst v63  }
0x87: {  	_ =	swait.ge [sflag:s13], $0x4000  }
0x88: {  	[sflag:s13] =	ssyncset.done $0x0  }
0x89: {  	[sflag:s13] =	ssyncadd.s32 $0xFFFFC000  }
0x8a: {  	[spmem:s2] =	stream.indirect.scatter.add.f32 [tilespmem:s11], [sflag:$0x3], $0x80, s22, s10, $0xb8;
	[tilespmem:$0x1D000] =	vst v63  }
0x8b: {  	_ =	swait.ge [sflag:s14], $0x4000  }
0x8c: {  	[sflag:s14] =	ssyncset.done $0x0  }
0x8d: {  	[sflag:s14] =	ssyncadd.s32 $0xFFFFC000  }
0x8e: {  	[spmem:s2] =	stream.indirect.scatter.add.f32 [tilespmem:s12], [sflag:$0x4], $0x80, s23, s10, $0xb8;
	[tilespmem:$0x1D000] =	vst v63  }
0x8f: {  	_ =	swait.ge [sflag:s15], $0x4000  }
0x90: {  	[sflag:s15] =	ssyncset.done $0x0  }
0x91: {  	[sflag:s15] =	ssyncadd.s32 $0xFFFFC000  }
0x92: {  	_ =	swait.ge [sflag:s16], $0x4000  }
0x93: {  	[sflag:s16] =	ssyncset.done $0x0  }
0x94: {  	[sflag:s16] =	ssyncadd.s32 $0xFFFFC000  }
0x95: {  	[tilespmem:s11], [sflag:$0x1] =	stream.indirect.gather [hbm4b:s4+s10], $0x80, s24, s10, $0xb8;
	[tilespmem:$0x1D000] =	vst v63  }
0x96: {  	_ = 	snop  }
0x97: {  	[tilespmem:s12], [sflag:$0x2] =	stream.indirect.gather [hbm4b:s4+s10], $0x80, s25, s10, $0xb8;
	[tilespmem:$0x1D000] =	vst v63  }
0x98: {  	_ =	swait.ge [sflag:s13], $0x4000  }
0x99: {  	[sflag:s13] =	ssyncset.done $0x0  }
0x9a: {  	[sflag:s13] =	ssyncadd.s32 $0xFFFFC000  }
0x9b: {  	[spmem:s2] =	stream.indirect.scatter.add.f32 [tilespmem:s11], [sflag:$0x3], $0x80, s26, s10, $0xb8;
	[tilespmem:$0x1D000] =	vst v63  }
0x9c: {  	_ =	swait.ge [sflag:s14], $0x4000  }
0x9d: {  	[sflag:s14] =	ssyncset.done $0x0  }
0x9e: {  	[sflag:s14] =	ssyncadd.s32 $0xFFFFC000  }
0x9f: {  	[spmem:s2] =	stream.indirect.scatter.add.f32 [tilespmem:s12], [sflag:$0x4], $0x80, s28, s10, $0xb8;
	[tilespmem:$0x1D000] =	vst v63  }
0xa0: {  	_ =	swait.ge [sflag:s15], $0x4000  }
0xa1: {  	[sflag:s15] =	ssyncset.done $0x0  }
0xa2: {  	[sflag:s15] =	ssyncadd.s32 $0xFFFFC000  }
0xa3: {  	_ =	swait.ge [sflag:s16], $0x4000  }
0xa4: {  	[sflag:s16] =	ssyncset.done $0x0  }
0xa5: {  	[sflag:s16] =	ssyncadd.s32 $0xFFFFC000  }
0xa6: {  	[tilespmem:s11], [sflag:$0x1] =	stream.indirect.gather [hbm4b:s4+s10], $0x80, s29, s10, $0xb8;
	[tilespmem:$0x1D000] =	vst v63  }
0xa7: {  	_ = 	snop  }
0xa8: {  	[tilespmem:s12], [sflag:$0x2] =	stream.indirect.gather [hbm4b:s4+s10], $0x80, s30, s10, $0xb8;
	[tilespmem:$0x1D000] =	vst v63  }
0xa9: {  	_ =	swait.ge [sflag:s13], $0x4000  }
0xaa: {  	[sflag:s13] =	ssyncset.done $0x0  }
0xab: {  	[sflag:s13] =	ssyncadd.s32 $0xFFFFC000  }
0xac: {  	[spmem:s2] =	stream.indirect.scatter.add.f32 [tilespmem:s11], [sflag:$0x3], $0x80, s31, s10, $0xb8;
	[tilespmem:$0x1D000] =	vst v63  }
0xad: {  	_ =	swait.ge [sflag:s14], $0x4000  }
0xae: {  	[sflag:s14] =	ssyncset.done $0x0  }
0xaf: {  	[sflag:s14] =	ssyncadd.s32 $0xFFFFC000  }
0xb0: {  	[spmem:s2] =	stream.indirect.scatter.add.f32 [tilespmem:s12], [sflag:$0x4], $0x80, s0, s10, $0xb8;
	[tilespmem:$0x1D000] =	vst v63  }
0xb1: {  	_ =	swait.ge [sflag:s15], $0x4000  }
0xb2: {  	[sflag:s15] =	ssyncset.done $0x0  }
0xb3: {  	[sflag:s15] =	ssyncadd.s32 $0xFFFFC000  }
0xb4: {  	s5 =	simm.s32 $0x100;
	_ =	swait.ge [sflag:s16], $0x4000  }
0xb5: {  	s6 =	simm.s32 $0x200;
	s7 =	rddreg [dreg:$0x5];
	[sflag:s16] =	ssyncset.done $0x0  }
.LBB2_2:
0xb6: {  	[sflag:s16] =	ssyncadd.s32 $0xFFFFC000;
	s7 =	sadd.s32 s5, s7  }
0xb7: {  	[tilespmem:s3], [sflag:$0x5] =	stream.linear.gather [hbm4b:s7+s3], $0x800, $0x38;
	[tilespmem:$0x1D000] =	vst v63  }
0xb8: {  	_ =	swait.ge [sflag:s8], $0x800  }
0xb9: {  	s7 =	rddreg [dreg:$0x4];
	[sflag:s8] =	ssyncset.done $0x0  }
0xba: {  	[sflag:s8] =	ssyncadd.s32 $0xFFFFF800;
	s7 =	sadd.s32 s5, s7  }
0xbb: {  	[tilespmem:s9], [sflag:$0x5] =	stream.linear.gather [hbm4b:s7+s3], $0x800, $0x38;
	[tilespmem:$0x1D000] =	vst v63  }
0xbc: {  	_ =	swait.ge [sflag:s8], $0x800  }
0xbd: {  	[sflag:s8] =	ssyncset.done $0x0  }
0xbe: {  	[sflag:s8] =	ssyncadd.s32 $0xFFFFF800  }
0xbf: {  	[tilespmem:s11], [sflag:$0x1] =	stream.indirect.gather [hbm4b:s4+s10], $0x80, s9, s10, $0xb8;
	[tilespmem:$0x1D000] =	vst v63  }
0xc0: {  	s7 =	rddreg [dreg:$0x6]  }
0xc1: {  	[tilespmem:s12], [sflag:$0x2] =	stream.indirect.gather [hbm4b:s4+s10], $0x80, s7, s10, $0xb8;
	[tilespmem:$0x1D000] =	vst v63  }
0xc2: {  	_ =	swait.ge [sflag:s13], $0x4000  }
0xc3: {  	[sflag:s13] =	ssyncset.done $0x0  }
0xc4: {  	[sflag:s13] =	ssyncadd.s32 $0xFFFFC000  }
0xc5: {  	[spmem:s2] =	stream.indirect.scatter.add.f32 [tilespmem:s11], [sflag:$0x3], $0x80, s3, s10, $0xb8;
	[tilespmem:$0x1D000] =	vst v63  }
0xc6: {  	_ =	swait.ge [sflag:s14], $0x4000  }
0xc7: {  	[sflag:s14] =	ssyncset.done $0x0  }
0xc8: {  	[sflag:s14] =	ssyncadd.s32 $0xFFFFC000  }
0xc9: {  	[spmem:s2] =	stream.indirect.scatter.add.f32 [tilespmem:s12], [sflag:$0x4], $0x80, s10, s10, $0xb8;
	[tilespmem:$0x1D000] =	vst v63  }
0xca: {  	_ =	swait.ge [sflag:s15], $0x4000  }
0xcb: {  	[sflag:s15] =	ssyncset.done $0x0  }
0xcc: {  	[sflag:s15] =	ssyncadd.s32 $0xFFFFC000  }
0xcd: {  	_ =	swait.ge [sflag:s16], $0x4000  }
0xce: {  	s1 =	smov.u32 s6;
	[sflag:s16] =	ssyncset.done $0x0  }
0xcf: {  	s5 =	smov.u32 s1;
	s1 =	rddreg [dreg:$0x7];
	[sflag:s16] =	ssyncadd.s32 $0xFFFFC000  }
0xd0: {  	[tilespmem:s11], [sflag:$0x1] =	stream.indirect.gather [hbm4b:s4+s10], $0x80, s1, s10, $0xb8;
	[tilespmem:$0x1D000] =	vst v63  }
0xd1: {  	s7 =	rddreg [dreg:$0x8]  }
0xd2: {  	[tilespmem:s12], [sflag:$0x2] =	stream.indirect.gather [hbm4b:s4+s10], $0x80, s7, s10, $0xb8;
	[tilespmem:$0x1D000] =	vst v63  }
0xd3: {  	_ =	swait.ge [sflag:s13], $0x4000  }
0xd4: {  	[sflag:s13] =	ssyncset.done $0x0  }
0xd5: {  	s7 =	rddreg [dreg:$0x9];
	[sflag:s13] =	ssyncadd.s32 $0xFFFFC000  }
0xd6: {  	[spmem:s2] =	stream.indirect.scatter.add.f32 [tilespmem:s11], [sflag:$0x3], $0x80, s7, s10, $0xb8;
	[tilespmem:$0x1D000] =	vst v63  }
0xd7: {  	_ =	swait.ge [sflag:s14], $0x4000  }
0xd8: {  	[sflag:s14] =	ssyncset.done $0x0  }
0xd9: {  	s7 =	rddreg [dreg:$0xa];
	[sflag:s14] =	ssyncadd.s32 $0xFFFFC000  }
0xda: {  	[spmem:s2] =	stream.indirect.scatter.add.f32 [tilespmem:s12], [sflag:$0x4], $0x80, s7, s10, $0xb8;
	[tilespmem:$0x1D000] =	vst v63  }
0xdb: {  	_ =	swait.ge [sflag:s15], $0x4000  }
0xdc: {  	[sflag:s15] =	ssyncset.done $0x0  }
0xdd: {  	[sflag:s15] =	ssyncadd.s32 $0xFFFFC000  }
0xde: {  	_ =	swait.ge [sflag:s16], $0x4000  }
0xdf: {  	[sflag:s16] =	ssyncset.done $0x0  }
0xe0: {  	s1 =	rddreg [dreg:$0xb];
	[sflag:s16] =	ssyncadd.s32 $0xFFFFC000  }
0xe1: {  	[tilespmem:s11], [sflag:$0x1] =	stream.indirect.gather [hbm4b:s4+s10], $0x80, s1, s10, $0xb8;
	[tilespmem:$0x1D000] =	vst v63  }
0xe2: {  	s7 =	rddreg [dreg:$0xc]  }
0xe3: {  	[tilespmem:s12], [sflag:$0x2] =	stream.indirect.gather [hbm4b:s4+s10], $0x80, s7, s10, $0xb8;
	[tilespmem:$0x1D000] =	vst v63  }
0xe4: {  	_ =	swait.ge [sflag:s13], $0x4000  }
0xe5: {  	[sflag:s13] =	ssyncset.done $0x0  }
0xe6: {  	s7 =	rddreg [dreg:$0xd];
	[sflag:s13] =	ssyncadd.s32 $0xFFFFC000  }
0xe7: {  	[spmem:s2] =	stream.indirect.scatter.add.f32 [tilespmem:s11], [sflag:$0x3], $0x80, s7, s10, $0xb8;
	[tilespmem:$0x1D000] =	vst v63  }
0xe8: {  	_ =	swait.ge [sflag:s14], $0x4000  }
0xe9: {  	[sflag:s14] =	ssyncset.done $0x0  }
0xea: {  	s7 =	rddreg [dreg:$0xe];
	[sflag:s14] =	ssyncadd.s32 $0xFFFFC000  }
0xeb: {  	[spmem:s2] =	stream.indirect.scatter.add.f32 [tilespmem:s12], [sflag:$0x4], $0x80, s7, s10, $0xb8;
	[tilespmem:$0x1D000] =	vst v63  }
0xec: {  	_ =	swait.ge [sflag:s15], $0x4000  }
0xed: {  	[sflag:s15] =	ssyncset.done $0x0  }
0xee: {  	[sflag:s15] =	ssyncadd.s32 $0xFFFFC000  }
0xef: {  	_ =	swait.ge [sflag:s16], $0x4000  }
0xf0: {  	[sflag:s16] =	ssyncset.done $0x0  }
0xf1: {  	s1 =	rddreg [dreg:$0xf];
	[sflag:s16] =	ssyncadd.s32 $0xFFFFC000  }
0xf2: {  	[tilespmem:s11], [sflag:$0x1] =	stream.indirect.gather [hbm4b:s4+s10], $0x80, s1, s10, $0xb8;
	[tilespmem:$0x1D000] =	vst v63  }
0xf3: {  	s7 =	rddreg [dreg:$0x10]  }
0xf4: {  	[tilespmem:s12], [sflag:$0x2] =	stream.indirect.gather [hbm4b:s4+s10], $0x80, s7, s10, $0xb8;
	[tilespmem:$0x1D000] =	vst v63  }
0xf5: {  	_ =	swait.ge [sflag:s13], $0x4000  }
0xf6: {  	[sflag:s13] =	ssyncset.done $0x0  }
0xf7: {  	s7 =	rddreg [dreg:$0x11];
	[sflag:s13] =	ssyncadd.s32 $0xFFFFC000  }
0xf8: {  	[spmem:s2] =	stream.indirect.scatter.add.f32 [tilespmem:s11], [sflag:$0x3], $0x80, s7, s10, $0xb8;
	[tilespmem:$0x1D000] =	vst v63  }
0xf9: {  	_ =	swait.ge [sflag:s14], $0x4000  }
0xfa: {  	[sflag:s14] =	ssyncset.done $0x0  }
0xfb: {  	s7 =	rddreg [dreg:$0x12];
	[sflag:s14] =	ssyncadd.s32 $0xFFFFC000  }
0xfc: {  	[spmem:s2] =	stream.indirect.scatter.add.f32 [tilespmem:s12], [sflag:$0x4], $0x80, s7, s10, $0xb8;
	[tilespmem:$0x1D000] =	vst v63  }
0xfd: {  	_ =	swait.ge [sflag:s15], $0x4000  }
0xfe: {  	[sflag:s15] =	ssyncset.done $0x0  }
0xff: {  	[sflag:s15] =	ssyncadd.s32 $0xFFFFC000  }
0x100: {  	_ =	swait.ge [sflag:s16], $0x4000  }
0x101: {  	[sflag:s16] =	ssyncset.done $0x0  }
0x102: {  	s7 =	rddreg [dreg:$0x13];
	[sflag:s16] =	ssyncadd.s32 $0xFFFFC000  }
0x103: {  	[tilespmem:s11], [sflag:$0x1] =	stream.indirect.gather [hbm4b:s4+s10], $0x80, s7, s10, $0xb8;
	[tilespmem:$0x1D000] =	vst v63  }
0x104: {  	_ = 	snop  }
0x105: {  	[tilespmem:s12], [sflag:$0x2] =	stream.indirect.gather [hbm4b:s4+s10], $0x80, s17, s10, $0xb8;
	[tilespmem:$0x1D000] =	vst v63  }
0x106: {  	_ =	swait.ge [sflag:s13], $0x4000  }
0x107: {  	[sflag:s13] =	ssyncset.done $0x0  }
0x108: {  	[sflag:s13] =	ssyncadd.s32 $0xFFFFC000  }
0x109: {  	[spmem:s2] =	stream.indirect.scatter.add.f32 [tilespmem:s11], [sflag:$0x3], $0x80, s18, s10, $0xb8;
	[tilespmem:$0x1D000] =	vst v63  }
0x10a: {  	_ =	swait.ge [sflag:s14], $0x4000  }
0x10b: {  	[sflag:s14] =	ssyncset.done $0x0  }
0x10c: {  	[sflag:s14] =	ssyncadd.s32 $0xFFFFC000  }
0x10d: {  	[spmem:s2] =	stream.indirect.scatter.add.f32 [tilespmem:s12], [sflag:$0x4], $0x80, s19, s10, $0xb8;
	[tilespmem:$0x1D000] =	vst v63  }
0x10e: {  	_ =	swait.ge [sflag:s15], $0x4000  }
0x10f: {  	[sflag:s15] =	ssyncset.done $0x0  }
0x110: {  	[sflag:s15] =	ssyncadd.s32 $0xFFFFC000  }
0x111: {  	_ =	swait.ge [sflag:s16], $0x4000  }
0x112: {  	[sflag:s16] =	ssyncset.done $0x0  }
0x113: {  	[sflag:s16] =	ssyncadd.s32 $0xFFFFC000  }
0x114: {  	[tilespmem:s11], [sflag:$0x1] =	stream.indirect.gather [hbm4b:s4+s10], $0x80, s20, s10, $0xb8;
	[tilespmem:$0x1D000] =	vst v63  }
0x115: {  	_ = 	snop  }
0x116: {  	[tilespmem:s12], [sflag:$0x2] =	stream.indirect.gather [hbm4b:s4+s10], $0x80, s21, s10, $0xb8;
	[tilespmem:$0x1D000] =	vst v63  }
0x117: {  	_ =	swait.ge [sflag:s13], $0x4000  }
0x118: {  	[sflag:s13] =	ssyncset.done $0x0  }
0x119: {  	[sflag:s13] =	ssyncadd.s32 $0xFFFFC000  }
0x11a: {  	[spmem:s2] =	stream.indirect.scatter.add.f32 [tilespmem:s11], [sflag:$0x3], $0x80, s22, s10, $0xb8;
	[tilespmem:$0x1D000] =	vst v63  }
0x11b: {  	_ =	swait.ge [sflag:s14], $0x4000  }
0x11c: {  	[sflag:s14] =	ssyncset.done $0x0  }
0x11d: {  	[sflag:s14] =	ssyncadd.s32 $0xFFFFC000  }
0x11e: {  	[spmem:s2] =	stream.indirect.scatter.add.f32 [tilespmem:s12], [sflag:$0x4], $0x80, s23, s10, $0xb8;
	[tilespmem:$0x1D000] =	vst v63  }
0x11f: {  	_ =	swait.ge [sflag:s15], $0x4000  }
0x120: {  	[sflag:s15] =	ssyncset.done $0x0  }
0x121: {  	[sflag:s15] =	ssyncadd.s32 $0xFFFFC000  }
0x122: {  	_ =	swait.ge [sflag:s16], $0x4000  }
0x123: {  	[sflag:s16] =	ssyncset.done $0x0  }
0x124: {  	[sflag:s16] =	ssyncadd.s32 $0xFFFFC000  }
0x125: {  	[tilespmem:s11], [sflag:$0x1] =	stream.indirect.gather [hbm4b:s4+s10], $0x80, s24, s10, $0xb8;
	[tilespmem:$0x1D000] =	vst v63  }
0x126: {  	_ = 	snop  }
0x127: {  	[tilespmem:s12], [sflag:$0x2] =	stream.indirect.gather [hbm4b:s4+s10], $0x80, s25, s10, $0xb8;
	[tilespmem:$0x1D000] =	vst v63  }
0x128: {  	_ =	swait.ge [sflag:s13], $0x4000  }
0x129: {  	[sflag:s13] =	ssyncset.done $0x0  }
0x12a: {  	[sflag:s13] =	ssyncadd.s32 $0xFFFFC000  }
0x12b: {  	[spmem:s2] =	stream.indirect.scatter.add.f32 [tilespmem:s11], [sflag:$0x3], $0x80, s26, s10, $0xb8;
	[tilespmem:$0x1D000] =	vst v63  }
0x12c: {  	_ =	swait.ge [sflag:s14], $0x4000  }
0x12d: {  	[sflag:s14] =	ssyncset.done $0x0  }
0x12e: {  	[sflag:s14] =	ssyncadd.s32 $0xFFFFC000  }
0x12f: {  	[spmem:s2] =	stream.indirect.scatter.add.f32 [tilespmem:s12], [sflag:$0x4], $0x80, s28, s10, $0xb8;
	[tilespmem:$0x1D000] =	vst v63  }
0x130: {  	_ =	swait.ge [sflag:s15], $0x4000  }
0x131: {  	[sflag:s15] =	ssyncset.done $0x0  }
0x132: {  	[sflag:s15] =	ssyncadd.s32 $0xFFFFC000  }
0x133: {  	_ =	swait.ge [sflag:s16], $0x4000  }
0x134: {  	[sflag:s16] =	ssyncset.done $0x0  }
0x135: {  	[sflag:s16] =	ssyncadd.s32 $0xFFFFC000  }
0x136: {  	[tilespmem:s11], [sflag:$0x1] =	stream.indirect.gather [hbm4b:s4+s10], $0x80, s29, s10, $0xb8;
	[tilespmem:$0x1D000] =	vst v63  }
0x137: {  	_ = 	snop  }
0x138: {  	[tilespmem:s12], [sflag:$0x2] =	stream.indirect.gather [hbm4b:s4+s10], $0x80, s30, s10, $0xb8;
	[tilespmem:$0x1D000] =	vst v63  }
0x139: {  	_ =	swait.ge [sflag:s13], $0x4000  }
0x13a: {  	[sflag:s13] =	ssyncset.done $0x0  }
0x13b: {  	[sflag:s13] =	ssyncadd.s32 $0xFFFFC000  }
0x13c: {  	[spmem:s2] =	stream.indirect.scatter.add.f32 [tilespmem:s11], [sflag:$0x3], $0x80, s31, s10, $0xb8;
	[tilespmem:$0x1D000] =	vst v63  }
0x13d: {  	_ =	swait.ge [sflag:s14], $0x4000  }
0x13e: {  	[sflag:s14] =	ssyncset.done $0x0  }
0x13f: {  	p1 =	sne.s32 s6, $0x400;
	[sflag:s14] =	ssyncadd.s32 $0xFFFFC000  }
0x140: {  	[spmem:s2] =	stream.indirect.scatter.add.f32 [tilespmem:s12], [sflag:$0x4], $0x80, s0, s10, $0xb8;
	[tilespmem:$0x1D000] =	vst v63  }
.Ltmp0:
0x141: {  	_ =	swait.ge [sflag:s15], $0x4000;
	(pc) =	sbr.rel @p1 .LBB2_2-.Ltmp0, $4  }
0x142: {  	[sflag:s15] =	ssyncset.done $0x0  }
0x143: {  	[sflag:s15] =	ssyncadd.s32 $0xFFFFC000  }
0x144: {  	_ =	swait.ge [sflag:s16], $0x4000  }
0x145: {  	s6 =	sadd.s32 $0x100, s6;
	s7 =	rddreg [dreg:$0x5];
	[sflag:s16] =	ssyncset.done $0x0  }
0x146: {  	[sflag:s16] =	ssyncadd.s32 $0xFFFFC000;
	s1 =	sadd.s32 s5, s7  }
0x147: {  	[tilespmem:s3], [sflag:$0x5] =	stream.linear.gather [hbm4b:s1+s3], $0x800, $0x38;
	[tilespmem:$0x1D000] =	vst v63  }
0x148: {  	_ =	swait.ge [sflag:s8], $0x800  }
0x149: {  	s7 =	rddreg [dreg:$0x4];
	[sflag:s8] =	ssyncset.done $0x0  }
0x14a: {  	[sflag:s8] =	ssyncadd.s32 $0xFFFFF800;
	s1 =	sadd.s32 s5, s7  }
0x14b: {  	[tilespmem:s9], [sflag:$0x5] =	stream.linear.gather [hbm4b:s1+s3], $0x800, $0x38;
	[tilespmem:$0x1D000] =	vst v63  }
0x14c: {  	_ =	swait.ge [sflag:s8], $0x800  }
0x14d: {  	[sflag:s8] =	ssyncset.done $0x0  }
0x14e: {  	[sflag:s8] =	ssyncadd.s32 $0xFFFFF800  }
0x14f: {  	[tilespmem:s11], [sflag:$0x1] =	stream.indirect.gather [hbm4b:s4+s10], $0x80, s9, s10, $0xb8;
	[tilespmem:$0x1D000] =	vst v63  }
0x150: {  	s5 =	rddreg [dreg:$0x6]  }
0x151: {  	[tilespmem:s12], [sflag:$0x2] =	stream.indirect.gather [hbm4b:s4+s10], $0x80, s5, s10, $0xb8;
	[tilespmem:$0x1D000] =	vst v63  }
0x152: {  	_ =	swait.ge [sflag:s13], $0x4000  }
0x153: {  	[sflag:s13] =	ssyncset.done $0x0  }
0x154: {  	[sflag:s13] =	ssyncadd.s32 $0xFFFFC000  }
0x155: {  	[spmem:s2] =	stream.indirect.scatter.add.f32 [tilespmem:s11], [sflag:$0x3], $0x80, s3, s10, $0xb8;
	[tilespmem:$0x1D000] =	vst v63  }
0x156: {  	_ =	swait.ge [sflag:s14], $0x4000  }
0x157: {  	[sflag:s14] =	ssyncset.done $0x0  }
0x158: {  	[sflag:s14] =	ssyncadd.s32 $0xFFFFC000  }
0x159: {  	[spmem:s2] =	stream.indirect.scatter.add.f32 [tilespmem:s12], [sflag:$0x4], $0x80, s10, s10, $0xb8;
	[tilespmem:$0x1D000] =	vst v63  }
0x15a: {  	_ =	swait.ge [sflag:s15], $0x4000  }
0x15b: {  	[sflag:s15] =	ssyncset.done $0x0  }
0x15c: {  	[sflag:s15] =	ssyncadd.s32 $0xFFFFC000  }
0x15d: {  	_ =	swait.ge [sflag:s16], $0x4000  }
0x15e: {  	[sflag:s16] =	ssyncset.done $0x0  }
0x15f: {  	s6 =	rddreg [dreg:$0x7];
	[sflag:s16] =	ssyncadd.s32 $0xFFFFC000  }
0x160: {  	[tilespmem:s11], [sflag:$0x1] =	stream.indirect.gather [hbm4b:s4+s10], $0x80, s6, s10, $0xb8;
	[tilespmem:$0x1D000] =	vst v63  }
0x161: {  	s7 =	rddreg [dreg:$0x8]  }
0x162: {  	[tilespmem:s12], [sflag:$0x2] =	stream.indirect.gather [hbm4b:s4+s10], $0x80, s7, s10, $0xb8;
	[tilespmem:$0x1D000] =	vst v63  }
0x163: {  	_ =	swait.ge [sflag:s13], $0x4000  }
0x164: {  	[sflag:s13] =	ssyncset.done $0x0  }
0x165: {  	s6 =	rddreg [dreg:$0x9];
	[sflag:s13] =	ssyncadd.s32 $0xFFFFC000  }
0x166: {  	[spmem:s2] =	stream.indirect.scatter.add.f32 [tilespmem:s11], [sflag:$0x3], $0x80, s6, s10, $0xb8;
	[tilespmem:$0x1D000] =	vst v63  }
0x167: {  	_ =	swait.ge [sflag:s14], $0x4000  }
0x168: {  	[sflag:s14] =	ssyncset.done $0x0  }
0x169: {  	s7 =	rddreg [dreg:$0xa];
	[sflag:s14] =	ssyncadd.s32 $0xFFFFC000  }
0x16a: {  	[spmem:s2] =	stream.indirect.scatter.add.f32 [tilespmem:s12], [sflag:$0x4], $0x80, s7, s10, $0xb8;
	[tilespmem:$0x1D000] =	vst v63  }
0x16b: {  	_ =	swait.ge [sflag:s15], $0x4000  }
0x16c: {  	[sflag:s15] =	ssyncset.done $0x0  }
0x16d: {  	[sflag:s15] =	ssyncadd.s32 $0xFFFFC000  }
0x16e: {  	_ =	swait.ge [sflag:s16], $0x4000  }
0x16f: {  	[sflag:s16] =	ssyncset.done $0x0  }
0x170: {  	s5 =	rddreg [dreg:$0xb];
	[sflag:s16] =	ssyncadd.s32 $0xFFFFC000  }
0x171: {  	[tilespmem:s11], [sflag:$0x1] =	stream.indirect.gather [hbm4b:s4+s10], $0x80, s5, s10, $0xb8;
	[tilespmem:$0x1D000] =	vst v63  }
0x172: {  	s6 =	rddreg [dreg:$0xc]  }
0x173: {  	[tilespmem:s12], [sflag:$0x2] =	stream.indirect.gather [hbm4b:s4+s10], $0x80, s6, s10, $0xb8;
	[tilespmem:$0x1D000] =	vst v63  }
0x174: {  	_ =	swait.ge [sflag:s13], $0x4000  }
0x175: {  	[sflag:s13] =	ssyncset.done $0x0  }
0x176: {  	s7 =	rddreg [dreg:$0xd];
	[sflag:s13] =	ssyncadd.s32 $0xFFFFC000  }
0x177: {  	[spmem:s2] =	stream.indirect.scatter.add.f32 [tilespmem:s11], [sflag:$0x3], $0x80, s7, s10, $0xb8;
	[tilespmem:$0x1D000] =	vst v63  }
0x178: {  	_ =	swait.ge [sflag:s14], $0x4000  }
0x179: {  	[sflag:s14] =	ssyncset.done $0x0  }
0x17a: {  	s5 =	rddreg [dreg:$0xe];
	[sflag:s14] =	ssyncadd.s32 $0xFFFFC000  }
0x17b: {  	[spmem:s2] =	stream.indirect.scatter.add.f32 [tilespmem:s12], [sflag:$0x4], $0x80, s5, s10, $0xb8;
	[tilespmem:$0x1D000] =	vst v63  }
0x17c: {  	_ =	swait.ge [sflag:s15], $0x4000  }
0x17d: {  	[sflag:s15] =	ssyncset.done $0x0  }
0x17e: {  	[sflag:s15] =	ssyncadd.s32 $0xFFFFC000  }
0x17f: {  	_ =	swait.ge [sflag:s16], $0x4000  }
0x180: {  	[sflag:s16] =	ssyncset.done $0x0  }
0x181: {  	s6 =	rddreg [dreg:$0xf];
	[sflag:s16] =	ssyncadd.s32 $0xFFFFC000  }
0x182: {  	[tilespmem:s11], [sflag:$0x1] =	stream.indirect.gather [hbm4b:s4+s10], $0x80, s6, s10, $0xb8;
	[tilespmem:$0x1D000] =	vst v63  }
0x183: {  	s7 =	rddreg [dreg:$0x10]  }
0x184: {  	[tilespmem:s12], [sflag:$0x2] =	stream.indirect.gather [hbm4b:s4+s10], $0x80, s7, s10, $0xb8;
	[tilespmem:$0x1D000] =	vst v63  }
0x185: {  	_ =	swait.ge [sflag:s13], $0x4000  }
0x186: {  	[sflag:s13] =	ssyncset.done $0x0  }
0x187: {  	s5 =	rddreg [dreg:$0x11];
	[sflag:s13] =	ssyncadd.s32 $0xFFFFC000  }
0x188: {  	[spmem:s2] =	stream.indirect.scatter.add.f32 [tilespmem:s11], [sflag:$0x3], $0x80, s5, s10, $0xb8;
	[tilespmem:$0x1D000] =	vst v63  }
0x189: {  	_ =	swait.ge [sflag:s14], $0x4000  }
0x18a: {  	[sflag:s14] =	ssyncset.done $0x0  }
0x18b: {  	s6 =	rddreg [dreg:$0x12];
	[sflag:s14] =	ssyncadd.s32 $0xFFFFC000  }
0x18c: {  	[spmem:s2] =	stream.indirect.scatter.add.f32 [tilespmem:s12], [sflag:$0x4], $0x80, s6, s10, $0xb8;
	[tilespmem:$0x1D000] =	vst v63  }
0x18d: {  	_ =	swait.ge [sflag:s15], $0x4000  }
0x18e: {  	[sflag:s15] =	ssyncset.done $0x0  }
0x18f: {  	[sflag:s15] =	ssyncadd.s32 $0xFFFFC000  }
0x190: {  	_ =	swait.ge [sflag:s16], $0x4000  }
0x191: {  	[sflag:s16] =	ssyncset.done $0x0  }
0x192: {  	s7 =	rddreg [dreg:$0x13];
	[sflag:s16] =	ssyncadd.s32 $0xFFFFC000  }
0x193: {  	[tilespmem:s11], [sflag:$0x1] =	stream.indirect.gather [hbm4b:s4+s10], $0x80, s7, s10, $0xb8;
	[tilespmem:$0x1D000] =	vst v63  }
0x194: {  	_ = 	snop  }
0x195: {  	[tilespmem:s12], [sflag:$0x2] =	stream.indirect.gather [hbm4b:s4+s10], $0x80, s17, s10, $0xb8;
	[tilespmem:$0x1D000] =	vst v63  }
0x196: {  	_ =	swait.ge [sflag:s13], $0x4000  }
0x197: {  	[sflag:s13] =	ssyncset.done $0x0  }
0x198: {  	[sflag:s13] =	ssyncadd.s32 $0xFFFFC000  }
0x199: {  	[spmem:s2] =	stream.indirect.scatter.add.f32 [tilespmem:s11], [sflag:$0x3], $0x80, s18, s10, $0xb8;
	[tilespmem:$0x1D000] =	vst v63  }
0x19a: {  	_ =	swait.ge [sflag:s14], $0x4000  }
0x19b: {  	[sflag:s14] =	ssyncset.done $0x0  }
0x19c: {  	[sflag:s14] =	ssyncadd.s32 $0xFFFFC000  }
0x19d: {  	[spmem:s2] =	stream.indirect.scatter.add.f32 [tilespmem:s12], [sflag:$0x4], $0x80, s19, s10, $0xb8;
	[tilespmem:$0x1D000] =	vst v63  }
0x19e: {  	_ =	swait.ge [sflag:s15], $0x4000  }
0x19f: {  	[sflag:s15] =	ssyncset.done $0x0  }
0x1a0: {  	[sflag:s15] =	ssyncadd.s32 $0xFFFFC000  }
0x1a1: {  	_ =	swait.ge [sflag:s16], $0x4000  }
0x1a2: {  	[sflag:s16] =	ssyncset.done $0x0  }
0x1a3: {  	[sflag:s16] =	ssyncadd.s32 $0xFFFFC000  }
0x1a4: {  	[tilespmem:s11], [sflag:$0x1] =	stream.indirect.gather [hbm4b:s4+s10], $0x80, s20, s10, $0xb8;
	[tilespmem:$0x1D000] =	vst v63  }
0x1a5: {  	_ = 	snop  }
0x1a6: {  	[tilespmem:s12], [sflag:$0x2] =	stream.indirect.gather [hbm4b:s4+s10], $0x80, s21, s10, $0xb8;
	[tilespmem:$0x1D000] =	vst v63  }
0x1a7: {  	_ =	swait.ge [sflag:s13], $0x4000  }
0x1a8: {  	[sflag:s13] =	ssyncset.done $0x0  }
0x1a9: {  	[sflag:s13] =	ssyncadd.s32 $0xFFFFC000  }
0x1aa: {  	[spmem:s2] =	stream.indirect.scatter.add.f32 [tilespmem:s11], [sflag:$0x3], $0x80, s22, s10, $0xb8;
	[tilespmem:$0x1D000] =	vst v63  }
0x1ab: {  	_ =	swait.ge [sflag:s14], $0x4000  }
0x1ac: {  	[sflag:s14] =	ssyncset.done $0x0  }
0x1ad: {  	[sflag:s14] =	ssyncadd.s32 $0xFFFFC000  }
0x1ae: {  	[spmem:s2] =	stream.indirect.scatter.add.f32 [tilespmem:s12], [sflag:$0x4], $0x80, s23, s10, $0xb8;
	[tilespmem:$0x1D000] =	vst v63  }
0x1af: {  	_ =	swait.ge [sflag:s15], $0x4000  }
0x1b0: {  	[sflag:s15] =	ssyncset.done $0x0  }
0x1b1: {  	[sflag:s15] =	ssyncadd.s32 $0xFFFFC000  }
0x1b2: {  	_ =	swait.ge [sflag:s16], $0x4000  }
0x1b3: {  	[sflag:s16] =	ssyncset.done $0x0  }
0x1b4: {  	[sflag:s16] =	ssyncadd.s32 $0xFFFFC000  }
0x1b5: {  	[tilespmem:s11], [sflag:$0x1] =	stream.indirect.gather [hbm4b:s4+s10], $0x80, s24, s10, $0xb8;
	[tilespmem:$0x1D000] =	vst v63  }
0x1b6: {  	_ = 	snop  }
0x1b7: {  	[tilespmem:s12], [sflag:$0x2] =	stream.indirect.gather [hbm4b:s4+s10], $0x80, s25, s10, $0xb8;
	[tilespmem:$0x1D000] =	vst v63  }
0x1b8: {  	_ =	swait.ge [sflag:s13], $0x4000  }
0x1b9: {  	[sflag:s13] =	ssyncset.done $0x0  }
0x1ba: {  	[sflag:s13] =	ssyncadd.s32 $0xFFFFC000  }
0x1bb: {  	[spmem:s2] =	stream.indirect.scatter.add.f32 [tilespmem:s11], [sflag:$0x3], $0x80, s26, s10, $0xb8;
	[tilespmem:$0x1D000] =	vst v63  }
0x1bc: {  	_ =	swait.ge [sflag:s14], $0x4000  }
0x1bd: {  	[sflag:s14] =	ssyncset.done $0x0  }
0x1be: {  	[sflag:s14] =	ssyncadd.s32 $0xFFFFC000  }
0x1bf: {  	[spmem:s2] =	stream.indirect.scatter.add.f32 [tilespmem:s12], [sflag:$0x4], $0x80, s28, s10, $0xb8;
	[tilespmem:$0x1D000] =	vst v63  }
0x1c0: {  	_ =	swait.ge [sflag:s15], $0x4000  }
0x1c1: {  	[sflag:s15] =	ssyncset.done $0x0  }
0x1c2: {  	[sflag:s15] =	ssyncadd.s32 $0xFFFFC000  }
0x1c3: {  	_ =	swait.ge [sflag:s16], $0x4000  }
0x1c4: {  	[sflag:s16] =	ssyncset.done $0x0  }
0x1c5: {  	[sflag:s16] =	ssyncadd.s32 $0xFFFFC000  }
0x1c6: {  	[tilespmem:s11], [sflag:$0x1] =	stream.indirect.gather [hbm4b:s4+s10], $0x80, s29, s10, $0xb8;
	[tilespmem:$0x1D000] =	vst v63  }
0x1c7: {  	_ = 	snop  }
0x1c8: {  	[tilespmem:s12], [sflag:$0x2] =	stream.indirect.gather [hbm4b:s4+s10], $0x80, s30, s10, $0xb8;
	[tilespmem:$0x1D000] =	vst v63  }
0x1c9: {  	_ =	swait.ge [sflag:s13], $0x4000  }
0x1ca: {  	[sflag:s13] =	ssyncset.done $0x0  }
0x1cb: {  	[sflag:s13] =	ssyncadd.s32 $0xFFFFC000  }
0x1cc: {  	[spmem:s2] =	stream.indirect.scatter.add.f32 [tilespmem:s11], [sflag:$0x3], $0x80, s31, s10, $0xb8;
	[tilespmem:$0x1D000] =	vst v63  }
0x1cd: {  	_ =	swait.ge [sflag:s14], $0x4000  }
0x1ce: {  	[sflag:s14] =	ssyncset.done $0x0  }
0x1cf: {  	[sflag:s14] =	ssyncadd.s32 $0xFFFFC000  }
0x1d0: {  	[spmem:s2] =	stream.indirect.scatter.add.f32 [tilespmem:s12], [sflag:$0x4], $0x80, s0, s10, $0xb8;
	[tilespmem:$0x1D000] =	vst v63  }
0x1d1: {  	_ =	swait.ge [sflag:s15], $0x4000  }
0x1d2: {  	[sflag:s15] =	ssyncset.done $0x0  }
0x1d3: {  	[sflag:s15] =	ssyncadd.s32 $0xFFFFC000  }
0x1d4: {  	_ =	swait.ge [sflag:s16], $0x4000  }
0x1d5: {  	[sflag:s16] =	ssyncset.done $0x0  }
0x1d6: {  	[sflag:s16] =	ssyncadd.s32 $0xFFFFC000  }
0x1d7: {  	[bflag:$0x0] =	sbarrier.arrive $0xFFFF  }
0x1d8: {  	s5 =	rddreg [dreg:$0x14]  }
0x1d9: {  	s1 =	simm.s32 @!p0 $0x1C05;
	s6 =	rddreg [dreg:$0x16]  }
0x1da: {  	[hbm:s5], [sflag:s1] =	dma.local @!p0 [spmem:s6], $0x28000  }
0x1db: {  	s1 =	simm.s32 @!p0 $0x5  }
0x1dc: {  	_ =	swait.ge @!p0 [sflag:s1], $0x28000  }
0x1dd: {  	s5 =	rddreg [dreg:$0x17]  }
0x1de: {  	s7 =	sadd.s32 $0x1, s5;
	s5 =	rddreg [dreg:$0x15]  }
0x1df: {  	p1 =	sne.s32 s7, s5  }
.Ltmp1:
0x1e0: {  	_ = 	snop;
	(pc) =	sbr.rel @p1 .LBB2_1-.Ltmp1, $3  }
0x1e1: {  	_ =	sdelay $0x1  }
0x1e2: {  	[sflag:s1] =	ssyncset.done @!p0 $0x0  }
0x1e3: {  	[sflag:s1] =	ssyncadd.s32 @!p0 $0xFFFD8000  }
0x1e4: {  	_ =	sfence.sel $0x180000  }
0x1e5: {  	[bflag:$0x0] =	sbarrier.arrive $0xFFFF  }
0x1e6: {  	_ =	strace $0x9000004A  }
0x1e7: {  	[bflag:$0x2] =	sbarrier.arrive $0xFFFF  }
0x1e8: {  	s0 =	rddreg [dreg:$0x3]  }
0x1e9: {  	s0 =	sadd.s32 @!p0 $0x100000, s0  }
0x1ea: {  	[sflag:s0] =	ssyncadd.tile.s32 @!p0 $0x1;
	_ =	shalt  }
.Lfunc_end2:
_tile_overlayer_lowered:
.L_overlay_start_2:
0x1eb: {  	(tag) =	ssettag $0x2  }
0x1ec: {  	s0 =	rddreg [dreg:$0x0];
	s2 =	stileid.u32  }
0x1ed: {  	s1 =	rddreg [dreg:$0x1];
	p0 =	sne.s32 s2, $0x0  }
0x1ee: {  	s3 =	rddreg [dreg:$0x2];
	[bflag:$0x3] =	sbarrier.arrive $0xFFFF;
	s2 =	simm.s32 @!p0 $0x1C05  }
0x1ef: {  	[timem:s3], [sflag:s2] =	dma.local @!p0 [hbm:s0], s1  }
0x1f0: {  	s0 =	simm.s32 @!p0 $0x5  }
0x1f1: {  	_ =	swait.ge @!p0 [sflag:s0], s1  }
0x1f2: {  	s1 =	ssub.s32 @!p0 $0x0, s1;
	[sflag:s0] =	ssyncset.done @!p0 $0x0  }
0x1f3: {  	[sflag:s0] =	ssyncadd.s32 @!p0 s1  }
0x1f4: {  	[bflag:$0x3] =	sbarrier.arrive $0xFFFF  }
0x1f5: {  	_ =	shalt  }

</sc_bundles>
